<compile_context>
chip_gen: v7x
topology: tpu7x:2x2x1
jax: 0.10.2.dev20260603
libtpu: 0.0.44.dev20260713+nightly
codegen_flags: <defaults>
</compile_context>

<pallas_src>
import dataclasses
import functools

import jax
import jax.numpy as jnp
from jax import lax
from jax.experimental import pallas as pl
from jax.experimental.pallas import tpu as pltpu
from jax.experimental.pallas import tpu_sc as plsc

N = 10000
E = 320000
P = 640000
HID = 64
NL = 3
NC = 10
NG = 256
ZIN = 1800
IN_DIM = 10

BE = 6400
GRID_E = E // BE

NWORK = 32
ES = E // NWORK
ZCH = 400
NZCH = ES // ZCH
ZK = 512


def _sc_compiler_params():
    cp = pltpu.CompilerParams()
    if "needs_layout_passes" in pltpu.CompilerParams.__dataclass_fields__:
        cp = dataclasses.replace(cp, needs_layout_passes=False)
    return cp


def _z0_body(zinit_hbm, pi_hbm, pe_hbm, pb_hbm, btab_hbm, z0_hbm,
             bvec, idxv, encv, segv, gbuf, outbuf, sem):
    wid = lax.axis_index("s") * 2 + lax.axis_index("c")
    pltpu.sync_copy(btab_hbm.at[wid], bvec)
    iota16 = lax.iota(jnp.int32, 16)
    bv0 = bvec[pl.ds(0, 16)]
    bv1 = bvec[pl.ds(16, 16)]
    zeros16 = jnp.zeros((16,), jnp.float32)

    def bound(j):
        j16 = jnp.full((16,), j, jnp.int32)
        a = lax.reduce_max(jnp.where(iota16 == j16, bv0, -1), (0,))
        b = lax.reduce_max(jnp.where(iota16 == j16 - 16, bv1, -1), (0,))
        return lax.max(a, b)

    @pl.loop(0, NZCH)
    def _(c):
        lo = bound(c)
        hi = bound(c + 1)
        lo_al = lax.bitwise_and(lo, jnp.int32(~7))
        nblk = (hi - lo_al + (ZK - 1)) // ZK
        lo16 = jnp.full((16,), lo, jnp.int32)
        hi16 = jnp.full((16,), hi, jnp.int32)
        segbase16 = jnp.full((16,), wid * ES + c * ZCH, jnp.int32)

        @pl.loop(0, ZCH)
        def _(r):
            r16 = jnp.full((16,), r, jnp.int32)
            for j in range(4):
                plsc.store_scatter(outbuf, [r16, iota16 + 16 * j], zeros16)

        def load_block(base):
            c1 = pltpu.async_copy(pi_hbm.at[pl.ds(base, ZK)], idxv, sem)
            c2 = pltpu.async_copy(pe_hbm.at[pl.ds(base, ZK)], encv, sem)
            c3 = pltpu.async_copy(pb_hbm.at[pl.ds(base, ZK)], segv, sem)
            c3.wait()
            c2.wait()
            c1.wait()
            pltpu.async_copy(zinit_hbm.at[idxv], gbuf, sem).wait()

        def masked_block(b):
            base = pl.multiple_of(lo_al + b * ZK, 8)
            load_block(base)
            base16 = jnp.full((16,), base, jnp.int32)

            @plsc.parallel_loop(0, ZK, unroll=4)
            def _(k):
                k16 = jnp.full((16,), k, jnp.int32)
                seg16 = plsc.load_gather(segv, [k16])
                enc16 = plsc.load_gather(encv, [k16])
                gp16 = base16 + k16
                mask = (gp16 >= lo16) & (gp16 < hi16)
                enc_eff = jnp.where(mask, enc16, 0.0)
                row16 = jnp.where(mask, seg16 - segbase16, 0)
                for j in range(4):
                    col = iota16 + 16 * j
                    vals = plsc.load_gather(gbuf, [k16, col])
                    plsc.addupdate_scatter(outbuf, [row16, col], vals * enc_eff)

        masked_block(jnp.int32(0))

        @pl.loop(1, nblk - 1)
        def _(b):
            base = pl.multiple_of(lo_al + b * ZK, 8)
            load_block(base)

            @plsc.parallel_loop(0, ZK, unroll=4)
            def _(k):
                k16 = jnp.full((16,), k, jnp.int32)
                seg16 = plsc.load_gather(segv, [k16])
                enc16 = plsc.load_gather(encv, [k16])
                row16 = seg16 - segbase16
                for j in range(4):
                    col = iota16 + 16 * j
                    vals = plsc.load_gather(gbuf, [k16, col])
                    plsc.addupdate_scatter(outbuf, [row16, col], vals * enc16)

        @pl.when(nblk >= 2)
        def _():
            masked_block(nblk - 1)

        pltpu.sync_copy(outbuf, z0_hbm.at[pl.ds(pl.multiple_of(wid * ES + c * ZCH, 8), ZCH)])


@jax.jit
def _z0_sc(zinit_W, pos_index, pos_enc, pos_batch):
    bnd = jnp.searchsorted(pos_batch, jnp.arange(0, E + 1, ZCH)).astype(jnp.int32)
    bnd = jnp.pad(bnd, (0, 32))
    rows = jnp.arange(NWORK)[:, None] * NZCH + jnp.arange(32)[None, :]
    btab = bnd[rows]
    zpad = jnp.pad(zinit_W, ((0, 0), (0, 64)))
    pi = jnp.pad(pos_index.astype(jnp.int32), (0, ZK))
    pe = jnp.pad(pos_enc, (0, ZK))
    pb = jnp.pad(pos_batch.astype(jnp.int32), (0, ZK))

    mesh = plsc.VectorSubcoreMesh(core_axis_name="c", subcore_axis_name="s",
                                  num_cores=2, num_subcores=16)
    kern = pl.kernel(
        _z0_body,
        out_type=jax.ShapeDtypeStruct((E, 128), jnp.float32),
        mesh=mesh,
        scratch_types=[
            pltpu.VMEM((32,), jnp.int32),
            pltpu.VMEM((ZK,), jnp.int32),
            pltpu.VMEM((ZK,), jnp.float32),
            pltpu.VMEM((ZK,), jnp.int32),
            pltpu.VMEM((ZK, 128), jnp.float32),
            pltpu.VMEM((ZCH, 128), jnp.float32),
            pltpu.SemaphoreType.DMA,
        ],
        compiler_params=_sc_compiler_params(),
    )
    return kern(zpad, pi, pe, pb, btab)


NP = 10240


def _stats_body(x_ref, o_ref):
    i = pl.program_id(0)

    @pl.when(i == 0)
    def _():
        o_ref[...] = jnp.zeros_like(o_ref)

    blk = x_ref[...][:, :HID]
    s1 = jnp.sum(blk, axis=0, keepdims=True)
    s2 = jnp.sum(blk * blk, axis=0, keepdims=True)
    o_ref[0:1, :] += s1
    o_ref[1:2, :] += s2


def _col_stats(x, bd):
    d = x.shape[1]
    return pl.pallas_call(
        _stats_body,
        grid=(x.shape[0] // bd,),
        in_specs=[pl.BlockSpec((bd, d), lambda i: (i, 0))],
        out_specs=pl.BlockSpec((8, HID), lambda i: (0, 0)),
        out_shape=jax.ShapeDtypeStruct((8, HID), jnp.float32),
    )(x)


def _bn_coeffs(stats, n, g, b):
    m = stats[0] / n
    v = stats[1] / n - m * m
    s = g / jnp.sqrt(v + 1e-5)
    t = b - m * s
    return s[None, :], t[None, :]


def _ztrans_body(z0_ref, s1_ref, t1_ref, w_ref, b_ref, zp_ref, st_ref):
    i = pl.program_id(0)

    @pl.when(i == 0)
    def _():
        st_ref[...] = jnp.zeros_like(st_ref)

    z1 = jnp.maximum(z0_ref[...][:, :HID] * s1_ref[...] + t1_ref[...], 0.0)
    zp = jnp.dot(z1, w_ref[...], preferred_element_type=jnp.float32) + b_ref[...]
    zp_ref[...] = zp
    st_ref[0:1, :] += jnp.sum(zp, axis=0, keepdims=True)
    st_ref[1:2, :] += jnp.sum(zp * zp, axis=0, keepdims=True)


def _ztrans(z0, s1, t1, w, b):
    return pl.pallas_call(
        _ztrans_body,
        grid=(GRID_E,),
        in_specs=[
            pl.BlockSpec((BE, 128), lambda i: (i, 0)),
            pl.BlockSpec((1, HID), lambda i: (0, 0)),
            pl.BlockSpec((1, HID), lambda i: (0, 0)),
            pl.BlockSpec((HID, HID), lambda i: (0, 0)),
            pl.BlockSpec((1, HID), lambda i: (0, 0)),
        ],
        out_specs=[
            pl.BlockSpec((BE, HID), lambda i: (i, 0)),
            pl.BlockSpec((8, HID), lambda i: (0, 0)),
        ],
        out_shape=[
            jax.ShapeDtypeStruct((E, HID), jnp.float32),
            jax.ShapeDtypeStruct((8, HID), jnp.float32),
        ],
    )(z0, s1, t1, w, b)


LK = 80
NLB = (E // NWORK) // LK


def _layer_body(e_hbm, h_hbm, src_hbm, dst_hbm, zeros_hbm, out_hbm,
                sv0, sv1, dv0, dv1, eb0, eb1, gb0, gb1, accum, sem, semg):
    cid = lax.axis_index("c")
    sid = lax.axis_index("s")
    wid = cid * 16 + sid
    tbase = wid * (E // NWORK)
    iota16 = lax.iota(jnp.int32, 16)

    pltpu.sync_copy(zeros_hbm.at[pl.ds(0, 640)], accum.at[pl.ds(sid * 640, 640)])
    plsc.subcore_barrier()

    def fire3(base, sv, dv, eb):
        c1 = pltpu.async_copy(src_hbm.at[pl.ds(base, LK)], sv, sem)
        c2 = pltpu.async_copy(dst_hbm.at[pl.ds(base, LK)], dv, sem)
        c3 = pltpu.async_copy(e_hbm.at[pl.ds(base, LK)], eb, sem)
        return (c1, c2, c3)

    def drain3(cs):
        cs[2].wait()
        cs[1].wait()
        cs[0].wait()

    def compute_m(gb, eb):
        @plsc.parallel_loop(0, LK, unroll=4)
        def _(r):
            r16 = jnp.full((16,), r, jnp.int32)
            for j in range(4):
                col = iota16 + 16 * j
                hv = plsc.load_gather(gb, [r16, col])
                ev = plsc.load_gather(eb, [r16, col])
                plsc.store_scatter(gb, [r16, col],
                                   jnp.maximum(hv + ev, 0.0))

    @pl.loop(0, NLB // 2)
    def _(i):
        b0 = pl.multiple_of(tbase + (2 * i) * LK, 8)
        b1 = pl.multiple_of(tbase + (2 * i + 1) * LK, 8)

        @pl.when(i > 0)
        def _():
            pltpu.make_async_copy(gb0, accum.at[dv0], semg).wait()
            pltpu.make_async_copy(gb1, accum.at[dv1], semg).wait()

        cs0 = fire3(b0, sv0, dv0, eb0)
        drain3(cs0)
        g0 = pltpu.async_copy(h_hbm.at[sv0], gb0, sem)
        cs1 = fire3(b1, sv1, dv1, eb1)
        g0.wait()
        compute_m(gb0, eb0)
        pltpu.async_copy(gb0, accum.at[dv0], semg, add=True)
        drain3(cs1)
        g1 = pltpu.async_copy(h_hbm.at[sv1], gb1, sem)
        g1.wait()
        compute_m(gb1, eb1)
        pltpu.async_copy(gb1, accum.at[dv1], semg, add=True)

    pltpu.make_async_copy(gb0, accum.at[dv0], semg).wait()
    pltpu.make_async_copy(gb1, accum.at[dv1], semg).wait()

    b0 = pl.multiple_of(tbase + (NLB - 1) * LK, 8)
    cs0 = fire3(b0, sv0, dv0, eb0)
    drain3(cs0)
    pltpu.async_copy(h_hbm.at[sv0], gb0, sem).wait()
    compute_m(gb0, eb0)
    pltpu.sync_copy(gb0, accum.at[dv0], add=True)

    plsc.subcore_barrier()
    pltpu.sync_copy(accum.at[pl.ds(sid * 640, 640)],
                    out_hbm.at[cid].at[pl.ds(sid * 640, 640)])


@jax.jit
def _layer_sc(e, h128, src, dst):
    zeros = jnp.zeros((640, 128), jnp.float32)
    mesh = plsc.VectorSubcoreMesh(core_axis_name="c", subcore_axis_name="s",
                                  num_cores=2, num_subcores=16)
    kern = pl.kernel(
        _layer_body,
        out_type=jax.ShapeDtypeStruct((2, NP, 128), jnp.float32),
        mesh=mesh,
        scratch_types=[
            pltpu.VMEM((LK,), jnp.int32),
            pltpu.VMEM((LK,), jnp.int32),
            pltpu.VMEM((LK,), jnp.int32),
            pltpu.VMEM((LK,), jnp.int32),
            pltpu.VMEM((LK, 128), jnp.float32),
            pltpu.VMEM((LK, 128), jnp.float32),
            pltpu.VMEM((LK, 128), jnp.float32),
            pltpu.VMEM((LK, 128), jnp.float32),
            pltpu.VMEM_SHARED((NP, 128), jnp.float32),
            pltpu.SemaphoreType.DMA,
            pltpu.SemaphoreType.DMA,
        ],
        compiler_params=_sc_compiler_params(),
    )
    return kern(e, h128, src.astype(jnp.int32), dst.astype(jnp.int32), zeros)


def _edge_e_body(zp_ref, s2_ref, t2_ref, wle_ref, ble_ref, e_ref):
    z2 = jnp.maximum(zp_ref[...] * s2_ref[...] + t2_ref[...], 0.0)
    e = jnp.dot(z2, wle_ref[...], preferred_element_type=jnp.float32) + ble_ref[...]
    e_ref[...] = jnp.concatenate([e, jnp.zeros_like(e)], axis=1)


def _edge_e(z2pre, s2, t2, wle, ble):
    return pl.pallas_call(
        _edge_e_body,
        grid=(GRID_E,),
        in_specs=[
            pl.BlockSpec((BE, HID), lambda i: (i, 0)),
            pl.BlockSpec((1, HID), lambda i: (0, 0)),
            pl.BlockSpec((1, HID), lambda i: (0, 0)),
            pl.BlockSpec((HID, HID), lambda i: (0, 0)),
            pl.BlockSpec((1, HID), lambda i: (0, 0)),
        ],
        out_specs=pl.BlockSpec((BE, 128), lambda i: (i, 0)),
        out_shape=jax.ShapeDtypeStruct((E, 128), jnp.float32),
    )(z2pre, s2, t2, wle, ble)


def _bn_in(x, g, b):
    m = jnp.mean(x, axis=0, keepdims=True)
    v = jnp.mean(x * x, axis=0, keepdims=True) - m * m
    return (x - m) / jnp.sqrt(v + 1e-5) * g + b


def _mlp_in(h, w1, b1, g1, t1, w2, b2, g2, t2):
    h = jnp.dot(h, w1, preferred_element_type=jnp.float32) + b1
    h = jnp.maximum(_bn_in(h, g1, t1), 0.0)
    h = jnp.dot(h, w2, preferred_element_type=jnp.float32) + b2
    return jnp.maximum(_bn_in(h, g2, t2), 0.0)


def _xemb_body(x_ref, w1, b1, g1, t1, w2, b2, g2, t2, o_ref):
    o_ref[...] = _mlp_in(x_ref[...], w1[...], b1[...], g1[...], t1[...],
                         w2[...], b2[...], g2[...], t2[...])


def _xemb(x, p):
    return pl.pallas_call(
        _xemb_body,
        out_shape=jax.ShapeDtypeStruct((N, HID), jnp.float32),
    )(x, p["xemb_l1_W"], p["xemb_l1_b"][None, :], p["xemb_bn1_g"][None, :],
      p["xemb_bn1_bt"][None, :], p["xemb_l2_W"], p["xemb_l2_b"][None, :],
      p["xemb_bn2_g"][None, :], p["xemb_bn2_bt"][None, :])


def _node_body(parts_ref, h_ref, sc_ref, w1, b1, g1, t1, w2, b2, g2, t2, o_ref):
    agg = (parts_ref[0] + parts_ref[1])[:N, :HID]
    h = agg + sc_ref[...] * h_ref[...]
    o_ref[...] = _mlp_in(h, w1[...], b1[...], g1[...], t1[...],
                         w2[...], b2[...], g2[...], t2[...])


def _node_update(parts, h, eps, p, pre):
    return pl.pallas_call(
        _node_body,
        out_shape=jax.ShapeDtypeStruct((N, HID), jnp.float32),
    )(parts, h, (1.0 + eps).reshape(1, 1),
      p[pre + "_l1_W"], p[pre + "_l1_b"][None, :], p[pre + "_bn1_g"][None, :],
      p[pre + "_bn1_bt"][None, :], p[pre + "_l2_W"], p[pre + "_l2_b"][None, :],
      p[pre + "_bn2_g"][None, :], p[pre + "_bn2_bt"][None, :])


def _head_body(x0, x1, x2, x3, b_ref, w1, b1, g1, t1, w2, b2, o_ref):
    hc = jnp.concatenate([x0[...], x1[...], x2[...], x3[...]], axis=1)
    onehot = (b_ref[...] == lax.broadcasted_iota(jnp.int32, (1, NG), 1)
              ).astype(jnp.float32)
    pooled = lax.dot_general(onehot, hc, (((0,), (0,)), ((), ())),
                             preferred_element_type=jnp.float32)
    cnt = jnp.sum(onehot, axis=0)[:, None]
    pooled = pooled / jnp.maximum(cnt, 1.0)
    o = jnp.dot(pooled, w1[...], preferred_element_type=jnp.float32) + b1[...]
    o = jnp.maximum(_bn_in(o, g1[...], t1[...]), 0.0)
    o = jnp.dot(o, w2[...], preferred_element_type=jnp.float32) + b2[...]
    o_ref[...] = jax.nn.log_softmax(o, axis=-1)


def _head(xs, batch, p):
    return pl.pallas_call(
        _head_body,
        out_shape=jax.ShapeDtypeStruct((NG, NC), jnp.float32),
    )(xs[0], xs[1], xs[2], xs[3], batch.astype(jnp.int32)[:, None],
      p["lin1_W"], p["lin1_b"][None, :], p["bn_lin1_g"][None, :],
      p["bn_lin1_bt"][None, :], p["lin2_W"], p["lin2_b"][None, :])


def kernel(x, edge_index, batch, pos_index, pos_enc, pos_batch, zinit_W, zemb_bn1_g, zemb_bn1_bt, zemb_lin_W, zemb_lin_b, zemb_bn2_g, zemb_bn2_bt, xemb_l1_W, xemb_l1_b, xemb_bn1_g, xemb_bn1_bt, xemb_l2_W, xemb_l2_b, xemb_bn2_g, xemb_bn2_bt, c0_le_W, c0_le_b, c0_eps, c0_l1_W, c0_l1_b, c0_bn1_g, c0_bn1_bt, c0_l2_W, c0_l2_b, c0_bn2_g, c0_bn2_bt, c1_le_W, c1_le_b, c1_eps, c1_l1_W, c1_l1_b, c1_bn1_g, c1_bn1_bt, c1_l2_W, c1_l2_b, c1_bn2_g, c1_bn2_bt, c2_le_W, c2_le_b, c2_eps, c2_l1_W, c2_l1_b, c2_bn1_g, c2_bn1_bt, c2_l2_W, c2_l2_b, c2_bn2_g, c2_bn2_bt, lin1_W, lin1_b, bn_lin1_g, bn_lin1_bt, lin2_W, lin2_b):
    p = dict(locals())
    src = edge_index[0]
    dst = edge_index[1]

    z0 = _z0_sc(zinit_W, pos_index, pos_enc, pos_batch)

    st1 = _col_stats(z0, BE)
    s1, t1 = _bn_coeffs(st1, float(E), zemb_bn1_g, zemb_bn1_bt)
    z2pre, st2 = _ztrans(z0, s1, t1, zemb_lin_W, zemb_lin_b[None, :])
    s2, t2 = _bn_coeffs(st2, float(E), zemb_bn2_g, zemb_bn2_bt)

    xs = [_xemb(x, p)]

    h = jnp.pad(x, ((0, 0), (0, HID - IN_DIM)))
    p["c0_le_W"] = jnp.pad(c0_le_W, ((0, 0), (0, HID - IN_DIM)))
    p["c0_le_b"] = jnp.pad(c0_le_b, (0, HID - IN_DIM))
    p["c0_l1_W"] = jnp.pad(c0_l1_W, ((0, HID - IN_DIM), (0, 0)))
    for i in range(NL):
        pre = "c%d" % i
        h128 = jnp.pad(h, ((0, 0), (0, 128 - HID)))
        e = _edge_e(z2pre, s2, t2, p[pre + "_le_W"], p[pre + "_le_b"][None, :])
        parts = _layer_sc(e, h128, src, dst)
        h = _node_update(parts, h, p[pre + "_eps"], p, pre)
        xs.append(h)

    return _head(xs, batch, p)

# --- scband reference (transcript-rebuilt; emitter-appended) ---
"""Pipeline reference for scband-nested-gin-eff-18932215841157 (READ-ONLY COPY).

The authoritative reference and input builder live on the scoring server;
editing this copy changes nothing except your own understanding.
"""

import jax, jax.numpy as jnp
import numpy as np

N = 10000
E = 320000
P = 640000
HID = 64
NL = 3
NC = 10
NG = 256
ZIN = 1800
IN_DIM = 10


def _lin_init(key, din, dout):
    k1, k2 = jax.random.split(key)
    s = 1.0 / np.sqrt(din)
    W = jax.random.uniform(k1, (din, dout), minval=-s, maxval=s, dtype=jnp.float32)
    b = jax.random.uniform(k2, (dout,), minval=-s, maxval=s, dtype=jnp.float32)
    return W, b


def setup_inputs(seed=0):
    key = jax.random.key(seed)
    inp = {}
    inp["x"] = jax.random.normal(jax.random.fold_in(key, 0), (N, IN_DIM), dtype=jnp.float32)
    inp["edge_index"] = jax.random.randint(jax.random.fold_in(key, 1), (2, E), 0, N)
    inp["batch"] = jnp.sort(jax.random.randint(jax.random.fold_in(key, 2), (N,), 0, NG))
    inp["pos_index"] = jax.random.randint(jax.random.fold_in(key, 3), (P,), 0, ZIN)
    inp["pos_enc"] = jax.random.normal(jax.random.fold_in(key, 4), (P,), dtype=jnp.float32)
    inp["pos_batch"] = jnp.sort(jax.random.randint(jax.random.fold_in(key, 5), (P,), 0, E))
    cnt = [10]
    def nk():
        cnt[0] += 1
        return jax.random.fold_in(key, cnt[0])
    def add_lin(name, din, dout):
        W, b = _lin_init(nk(), din, dout)
        inp[name + "_W"] = W
        inp[name + "_b"] = b
    def add_bn(name, d):
        inp[name + "_g"] = jnp.ones((d,), dtype=jnp.float32)
        inp[name + "_bt"] = jnp.zeros((d,), dtype=jnp.float32)
    inp["zinit_W"] = jax.random.normal(nk(), (ZIN, HID), dtype=jnp.float32)
    add_bn("zemb_bn1", HID); add_lin("zemb_lin", HID, HID); add_bn("zemb_bn2", HID)
    add_lin("xemb_l1", IN_DIM, HID); add_bn("xemb_bn1", HID)
    add_lin("xemb_l2", HID, HID); add_bn("xemb_bn2", HID)
    for i in range(NL):
        din = IN_DIM if i == 0 else HID
        add_lin("c%d_le" % i, HID, din)
        inp["c%d_eps" % i] = jnp.zeros((), dtype=jnp.float32)
        add_lin("c%d_l1" % i, din, HID); add_bn("c%d_bn1" % i, HID)
        add_lin("c%d_l2" % i, HID, HID); add_bn("c%d_bn2" % i, HID)
    add_lin("lin1", (NL + 1) * HID, HID); add_bn("bn_lin1", HID)
    add_lin("lin2", HID, NC)
    return inp


def _bn(x, g, b):
    m = jnp.mean(x, axis=0)
    v = jnp.var(x, axis=0)
    return (x - m) / jnp.sqrt(v + 1e-5) * g + b


def _mlp(h, p, pre):
    h = h @ p[pre + "_l1_W"] + p[pre + "_l1_b"]
    h = _bn(h, p[pre + "_bn1_g"], p[pre + "_bn1_bt"])
    h = jax.nn.relu(h)
    h = h @ p[pre + "_l2_W"] + p[pre + "_l2_b"]
    h = _bn(h, p[pre + "_bn2_g"], p[pre + "_bn2_bt"])
    return jax.nn.relu(h)


def _forward(p, edge_index, batch, pos_index, pos_batch):
    x = p["x"]
    pos_enc = p["pos_enc"]
    src = edge_index[0]
    dst = edge_index[1]
    # z_emb = global_add_pool(z_initial.weight[pos_index] * pos_enc, pos_batch) -> per-edge [E, HID]
    z = jax.ops.segment_sum(p["zinit_W"][pos_index] * pos_enc[:, None], pos_batch, num_segments=E)
    z = _bn(z, p["zemb_bn1_g"], p["zemb_bn1_bt"])
    z = jax.nn.relu(z)
    z = z @ p["zemb_lin_W"] + p["zemb_lin_b"]
    z = _bn(z, p["zemb_bn2_g"], p["zemb_bn2_bt"])
    z = jax.nn.relu(z)
    h = x
    xs = [_mlp(x, p, "xemb")]
    for i in range(NL):
        pre = "c%d" % i
        # GINEConv: message = relu(x_j + lin(edge_attr)); aggr = sum at dst; out = nn(aggr + (1+eps)*x)
        e = z @ p[pre + "_le_W"] + p[pre + "_le_b"]
        m = jax.nn.relu(h[src] + e)
        agg = jax.ops.segment_sum(m, dst, num_segments=N)
        h = agg + (1.0 + p[pre + "_eps"]) * h
        h = _mlp(h, p, pre)
        xs.append(h)
    hc = jnp.concatenate(xs, axis=1)
    ones = jnp.ones((N,), dtype=jnp.float32)
    cnt = jax.ops.segment_sum(ones, batch, num_segments=NG)
    pooled = jax.ops.segment_sum(hc, batch, num_segments=NG) / jnp.maximum(cnt, 1.0)[:, None]
    o = pooled @ p["lin1_W"] + p["lin1_b"]
    o = _bn(o, p["bn_lin1_g"], p["bn_lin1_bt"])
    o = jax.nn.relu(o)
    o = o @ p["lin2_W"] + p["lin2_b"]
    return jax.nn.log_softmax(o, axis=-1)


def reference(x, edge_index, batch, pos_index, pos_enc, pos_batch, zinit_W,
              zemb_bn1_g, zemb_bn1_bt, zemb_lin_W, zemb_lin_b, zemb_bn2_g, zemb_bn2_bt,
              xemb_l1_W, xemb_l1_b, xemb_bn1_g, xemb_bn1_bt,
              xemb_l2_W, xemb_l2_b, xemb_bn2_g, xemb_bn2_bt,
              c0_le_W, c0_le_b, c0_eps, c0_l1_W, c0_l1_b, c0_bn1_g, c0_bn1_bt,
              c0_l2_W, c0_l2_b, c0_bn2_g, c0_bn2_bt,
              c1_le_W, c1_le_b, c1_eps, c1_l1_W, c1_l1_b, c1_bn1_g, c1_bn1_bt,
              c1_l2_W, c1_l2_b, c1_bn2_g, c1_bn2_bt,
              c2_le_W, c2_le_b, c2_eps, c2_l1_W, c2_l1_b, c2_bn1_g, c2_bn1_bt,
              c2_l2_W, c2_l2_b, c2_bn2_g, c2_bn2_bt,
              lin1_W, lin1_b, bn_lin1_g, bn_lin1_bt, lin2_W, lin2_b):
    kw = dict(locals())
    edge_index = kw.pop("edge_index")
    batch = kw.pop("batch")
    pos_index = kw.pop("pos_index")
    pos_batch = kw.pop("pos_batch")
    return _forward(kw, edge_index, batch, pos_index, pos_batch)

if __name__ == "__main__":
    import jax
    _d = setup_inputs()
    print(jax.jit(kernel)(*tuple(_d.values())))

</pallas_src>

<mosaic_0001>
#map = affine_map<(d0, d1) -> (0, 0)>
#map1 = affine_map<(d0, d1) -> (0)>
module attributes {stable_mosaic.version = 14 : i64} {
  func.func @_z0_body(%arg0: i32, %arg1: i32, %arg2: memref<1800x128xf32, #tpu.memory_space<hbm>>, %arg3: memref<640512xi32, #tpu.memory_space<hbm>>, %arg4: memref<640512xf32, #tpu.memory_space<hbm>>, %arg5: memref<640512xi32, #tpu.memory_space<hbm>>, %arg6: memref<32x32xi32, #tpu.memory_space<hbm>>, %arg7: memref<320000x128xf32, #tpu.memory_space<hbm>>, %arg8: memref<32xi32, #tpu.memory_space<vmem>>, %arg9: memref<512xi32, #tpu.memory_space<vmem>>, %arg10: memref<512xf32, #tpu.memory_space<vmem>>, %arg11: memref<512xi32, #tpu.memory_space<vmem>>, %arg12: memref<512x128xf32, #tpu.memory_space<vmem>>, %arg13: memref<400x128xf32, #tpu.memory_space<vmem>>, %arg14: memref<!tpu.dma_semaphore, #tpu.memory_space<semaphore_mem>>) attributes {dimension_semantics = [#tpu.dimension_semantics<core_parallel>, #tpu.dimension_semantics<subcore_parallel>], iteration_bounds = array<i64: 2, 16>, scalar_prefetch = 0 : i64, scratch_operands = 7 : i64, tpu.core_type = #tpu.core_type<sc_vector_subcore>, window_params = [{transform_indices = #map}, {transform_indices = #map1}, {transform_indices = #map1}, {transform_indices = #map1}, {transform_indices = #map}, {transform_indices = #map}]} {
    %mul3A = arith.constant 2 : i32
    %mul3A_0 = arith.muli %arg1, %mul3A : i32
    %add3A = arith.addi %mul3A_0, %arg0 : i32
    "tpu.region"() ({
      %run_scoped3A = tpu.sem_alloc : memref<!tpu.dma_semaphore, #tpu.memory_space<semaphore_mem>>
      %dma_start3A = arith.constant 0 : i32
      %dma_start3A_9 = tpu.memref_slice %arg6[%add3A, %dma_start3A] : memref<32x32xi32, #tpu.memory_space<hbm>> -> memref<1x32xi32, #tpu.memory_space<hbm>>
      %dma_start3A_10 = tpu.memref_squeeze %dma_start3A_9 : memref<1x32xi32, #tpu.memory_space<hbm>> -> memref<32xi32, #tpu.memory_space<hbm>>
      %dma_start3A_11 = arith.constant 0 : i32
      %dma_start3A_12 = tpu.memref_slice %arg6[%add3A, %dma_start3A_11] : memref<32x32xi32, #tpu.memory_space<hbm>> -> memref<1x32xi32, #tpu.memory_space<hbm>>
      %dma_start3A_13 = tpu.memref_squeeze %dma_start3A_12 : memref<1x32xi32, #tpu.memory_space<hbm>> -> memref<32xi32, #tpu.memory_space<hbm>>
      tpu.enqueue_dma source(%dma_start3A_13 : memref<32xi32, #tpu.memory_space<hbm>>) target(%arg8 : memref<32xi32, #tpu.memory_space<vmem>>) target_semaphore(%run_scoped3A : memref<!tpu.dma_semaphore, #tpu.memory_space<semaphore_mem>>)
      %dma_wait3A = arith.constant 0 : i32
      %dma_wait3A_14 = tpu.memref_slice %arg6[%add3A, %dma_wait3A] : memref<32x32xi32, #tpu.memory_space<hbm>> -> memref<1x32xi32, #tpu.memory_space<hbm>>
      %dma_wait3A_15 = tpu.memref_squeeze %dma_wait3A_14 : memref<1x32xi32, #tpu.memory_space<hbm>> -> memref<32xi32, #tpu.memory_space<hbm>>
      %dma_wait3A_16 = arith.constant 0 : i32
      %dma_wait3A_17 = tpu.memref_slice %arg6[%add3A, %dma_wait3A_16] : memref<32x32xi32, #tpu.memory_space<hbm>> -> memref<1x32xi32, #tpu.memory_space<hbm>>
      %dma_wait3A_18 = tpu.memref_squeeze %dma_wait3A_17 : memref<1x32xi32, #tpu.memory_space<hbm>> -> memref<32xi32, #tpu.memory_space<hbm>>
      tpu.wait_dma2 semaphore(%run_scoped3A : memref<!tpu.dma_semaphore, #tpu.memory_space<semaphore_mem>>) src(%dma_wait3A_18 : memref<32xi32, #tpu.memory_space<hbm>>) dst(%arg8 : memref<32xi32, #tpu.memory_space<vmem>>)
      tpu.yield
    }) : () -> ()
    %iota3A = tpu.iota {dimensions = array<i32: 0>} : vector<16xi32>
    %get3A = arith.constant 0 : index
    %get3A_1 = tpu.vector_load %arg8[%get3A] {strides = array<i32>} : memref<32xi32, #tpu.memory_space<vmem>>, vector<16xi32>,
    %get3A_2 = arith.constant 16 : index
    %get3A_3 = tpu.vector_load %arg8[%get3A_2] {strides = array<i32>} : memref<32xi32, #tpu.memory_space<vmem>>, vector<16xi32>,
    %broadcast_in_dim3A = arith.constant 0.000000e+00 : f32
    %broadcast_in_dim3A_4 = vector.broadcast %broadcast_in_dim3A : f32 to vector<16xf32>
    %scan3A = arith.constant 0 : i32
    %scan3A_5 = arith.constant 25 : i32
    %scan3A_6 = arith.addi %scan3A, %scan3A_5 : i32
    %scan3A_7 = arith.constant 1 : i32
    scf.for %scan3A_9 = %scan3A to %scan3A_6 step %scan3A_7  : i32 {
      %mul3A_10 = arith.constant 1 : i32
      %mul3A_11 = arith.muli %scan3A_9, %mul3A_10 : i32
      %add3A_12 = arith.constant 0 : i32
      %add3A_13 = arith.addi %add3A_12, %mul3A_11 : i32
      %broadcast_in_dim3A_14 = vector.broadcast %add3A_13 : i32 to vector<16xi32>
      %eq3A = arith.cmpi eq, %iota3A, %broadcast_in_dim3A_14 : vector<16xi32>
      %jit3A = arith.constant -1 : i32
      %broadcast_in_dim3A_15 = vector.broadcast %jit3A : i32 to vector<16xi32>
      %select_n3A = arith.select %eq3A, %get3A_1, %broadcast_in_dim3A_15 : vector<16xi1>, vector<16xi32>
      %reduce_max3A = arith.constant true
      %reduce_max3A_16 = vector.broadcast %reduce_max3A : i1 to vector<16xi1>
      %reduce_max3A_17 = arith.constant -2147483648 : i32
      %reduce_max3A_18 = vector.broadcast %reduce_max3A_17 : i32 to vector<16xi32>
      %reduce_max3A_19 = arith.xori %select_n3A, %reduce_max3A_18 : vector<16xi32>
      %reduce_max3A_20 = tpu.scan <max>, %reduce_max3A_19 masked %reduce_max3A_16 : vector<16xi32>, vector<16xi1> -> vector<16xi32>
      %reduce_max3A_21 = arith.xori %reduce_max3A_20, %reduce_max3A_18 : vector<16xi32>
      %reduce_max3A_22 = vector.extract %reduce_max3A_21[15] : i32 from vector<16xi32>
      %sub3A = arith.constant 16 : i32
      %sub3A_23 = vector.broadcast %sub3A : i32 to vector<16xi32>
      %sub3A_24 = arith.subi %broadcast_in_dim3A_14, %sub3A_23 : vector<16xi32>
      %eq3A_25 = arith.cmpi eq, %iota3A, %sub3A_24 : vector<16xi32>
      %jit3A_26 = arith.constant -1 : i32
      %broadcast_in_dim3A_27 = vector.broadcast %jit3A_26 : i32 to vector<16xi32>
      %select_n3A_28 = arith.select %eq3A_25, %get3A_3, %broadcast_in_dim3A_27 : vector<16xi1>, vector<16xi32>
      %reduce_max3A_29 = arith.constant true
      %reduce_max3A_30 = vector.broadcast %reduce_max3A_29 : i1 to vector<16xi1>
      %reduce_max3A_31 = arith.constant -2147483648 : i32
      %reduce_max3A_32 = vector.broadcast %reduce_max3A_31 : i32 to vector<16xi32>
      %reduce_max3A_33 = arith.xori %select_n3A_28, %reduce_max3A_32 : vector<16xi32>
      %reduce_max3A_34 = tpu.scan <max>, %reduce_max3A_33 masked %reduce_max3A_30 : vector<16xi32>, vector<16xi1> -> vector<16xi32>
      %reduce_max3A_35 = arith.xori %reduce_max3A_34, %reduce_max3A_32 : vector<16xi32>
      %reduce_max3A_36 = vector.extract %reduce_max3A_35[15] : i32 from vector<16xi32>
      %max3A = arith.maxsi %reduce_max3A_22, %reduce_max3A_36 : i32
      %add3A_37 = arith.constant 1 : i32
      %add3A_38 = arith.addi %add3A_13, %add3A_37 : i32
      %broadcast_in_dim3A_39 = vector.broadcast %add3A_38 : i32 to vector<16xi32>
      %eq3A_40 = arith.cmpi eq, %iota3A, %broadcast_in_dim3A_39 : vector<16xi32>
      %jit3A_41 = arith.constant -1 : i32
      %broadcast_in_dim3A_42 = vector.broadcast %jit3A_41 : i32 to vector<16xi32>
      %select_n3A_43 = arith.select %eq3A_40, %get3A_1, %broadcast_in_dim3A_42 : vector<16xi1>, vector<16xi32>
      %reduce_max3A_44 = arith.constant true
      %reduce_max3A_45 = vector.broadcast %reduce_max3A_44 : i1 to vector<16xi1>
      %reduce_max3A_46 = arith.constant -2147483648 : i32
      %reduce_max3A_47 = vector.broadcast %reduce_max3A_46 : i32 to vector<16xi32>
      %reduce_max3A_48 = arith.xori %select_n3A_43, %reduce_max3A_47 : vector<16xi32>
      %reduce_max3A_49 = tpu.scan <max>, %reduce_max3A_48 masked %reduce_max3A_45 : vector<16xi32>, vector<16xi1> -> vector<16xi32>
      %reduce_max3A_50 = arith.xori %reduce_max3A_49, %reduce_max3A_47 : vector<16xi32>
      %reduce_max3A_51 = vector.extract %reduce_max3A_50[15] : i32 from vector<16xi32>
      %sub3A_52 = arith.constant 16 : i32
      %sub3A_53 = vector.broadcast %sub3A_52 : i32 to vector<16xi32>
      %sub3A_54 = arith.subi %broadcast_in_dim3A_39, %sub3A_53 : vector<16xi32>
      %eq3A_55 = arith.cmpi eq, %iota3A, %sub3A_54 : vector<16xi32>
      %jit3A_56 = arith.constant -1 : i32
      %broadcast_in_dim3A_57 = vector.broadcast %jit3A_56 : i32 to vector<16xi32>
      %select_n3A_58 = arith.select %eq3A_55, %get3A_3, %broadcast_in_dim3A_57 : vector<16xi1>, vector<16xi32>
      %reduce_max3A_59 = arith.constant true
      %reduce_max3A_60 = vector.broadcast %reduce_max3A_59 : i1 to vector<16xi1>
      %reduce_max3A_61 = arith.constant -2147483648 : i32
      %reduce_max3A_62 = vector.broadcast %reduce_max3A_61 : i32 to vector<16xi32>
      %reduce_max3A_63 = arith.xori %select_n3A_58, %reduce_max3A_62 : vector<16xi32>
      %reduce_max3A_64 = tpu.scan <max>, %reduce_max3A_63 masked %reduce_max3A_60 : vector<16xi32>, vector<16xi1> -> vector<16xi32>
      %reduce_max3A_65 = arith.xori %reduce_max3A_64, %reduce_max3A_62 : vector<16xi32>
      %reduce_max3A_66 = vector.extract %reduce_max3A_65[15] : i32 from vector<16xi32>
      %max3A_67 = arith.maxsi %reduce_max3A_51, %reduce_max3A_66 : i32
      %and3A = arith.constant -8 : i32
      %and3A_68 = arith.andi %max3A, %and3A : i32
      %sub3A_69 = arith.subi %max3A_67, %and3A_68 : i32
      %add3A_70 = arith.constant 511 : i32
      %add3A_71 = arith.addi %sub3A_69, %add3A_70 : i32
      %jit3A_72 = arith.constant 512 : i32
      %div3A = arith.divsi %add3A_71, %jit3A_72 : i32
      %sign3A = arith.constant 0 : i32
      %sign3A_73 = arith.cmpi sgt, %add3A_71, %sign3A : i32
      %sign3A_74 = arith.extui %sign3A_73 : i1 to i32
      %sign3A_75 = arith.constant 0 : i32
      %sign3A_76 = arith.cmpi slt, %add3A_71, %sign3A_75 : i32
      %sign3A_77 = arith.extui %sign3A_76 : i1 to i32
      %sign3A_78 = arith.subi %sign3A_74, %sign3A_77 : i32
      %sign3A_79 = arith.constant 0 : i32
      %sign3A_80 = arith.cmpi sgt, %jit3A_72, %sign3A_79 : i32
      %sign3A_81 = arith.extui %sign3A_80 : i1 to i32
      %sign3A_82 = arith.constant 0 : i32
      %sign3A_83 = arith.cmpi slt, %jit3A_72, %sign3A_82 : i32
      %sign3A_84 = arith.extui %sign3A_83 : i1 to i32
      %sign3A_85 = arith.subi %sign3A_81, %sign3A_84 : i32
      %ne3A = arith.cmpi ne, %sign3A_78, %sign3A_85 : i32
      %rem3A = arith.remsi %add3A_71, %jit3A_72 : i32
      %ne3A_86 = arith.constant 0 : i32
      %ne3A_87 = arith.cmpi ne, %rem3A, %ne3A_86 : i32
      %and3A_88 = arith.andi %ne3A, %ne3A_87 : i1
      %sub3A_89 = arith.constant 1 : i32
      %sub3A_90 = arith.subi %div3A, %sub3A_89 : i32
      %select_n3A_91 = arith.select %and3A_88, %sub3A_90, %div3A : i32
      %broadcast_in_dim3A_92 = vector.broadcast %max3A : i32 to vector<16xi32>
      %broadcast_in_dim3A_93 = vector.broadcast %max3A_67 : i32 to vector<16xi32>
      %mul3A_94 = arith.constant 10000 : i32
      %mul3A_95 = arith.muli %add3A, %mul3A_94 : i32
      %mul3A_96 = arith.constant 400 : i32
      %mul3A_97 = arith.muli %add3A_13, %mul3A_96 : i32
      %add3A_98 = arith.addi %mul3A_95, %mul3A_97 : i32
      %broadcast_in_dim3A_99 = vector.broadcast %add3A_98 : i32 to vector<16xi32>
      %scan3A_100 = arith.constant 0 : i32
      %scan3A_101 = arith.constant 400 : i32
      %scan3A_102 = arith.addi %scan3A_100, %scan3A_101 : i32
      %scan3A_103 = arith.constant 1 : i32
      scf.for %scan3A_156 = %scan3A_100 to %scan3A_102 step %scan3A_103  : i32 {
        %mul3A_157 = arith.constant 1 : i32
        %mul3A_158 = arith.muli %scan3A_156, %mul3A_157 : i32
        %add3A_159 = arith.constant 0 : i32
        %add3A_160 = arith.addi %add3A_159, %mul3A_158 : i32
        %broadcast_in_dim3A_161 = vector.broadcast %add3A_160 : i32 to vector<16xi32>
        %add3A_162 = arith.constant 0 : i32
        %add3A_163 = vector.broadcast %add3A_162 : i32 to vector<16xi32>
        %add3A_164 = arith.addi %iota3A, %add3A_163 : vector<16xi32>
        tpu.vector_store_idx %arg13[%broadcast_in_dim3A_161, %add3A_164], %broadcast_in_dim3A_4 : memref<400x128xf32, #tpu.memory_space<vmem>>[vector<16xi32>, vector<16xi32>], vector<16xf32>,
        %add3A_165 = arith.constant 16 : i32
        %add3A_166 = vector.broadcast %add3A_165 : i32 to vector<16xi32>
        %add3A_167 = arith.addi %iota3A, %add3A_166 : vector<16xi32>
        tpu.vector_store_idx %arg13[%broadcast_in_dim3A_161, %add3A_167], %broadcast_in_dim3A_4 : memref<400x128xf32, #tpu.memory_space<vmem>>[vector<16xi32>, vector<16xi32>], vector<16xf32>,
        %add3A_168 = arith.constant 32 : i32
        %add3A_169 = vector.broadcast %add3A_168 : i32 to vector<16xi32>
        %add3A_170 = arith.addi %iota3A, %add3A_169 : vector<16xi32>
        tpu.vector_store_idx %arg13[%broadcast_in_dim3A_161, %add3A_170], %broadcast_in_dim3A_4 : memref<400x128xf32, #tpu.memory_space<vmem>>[vector<16xi32>, vector<16xi32>], vector<16xf32>,
        %add3A_171 = arith.constant 48 : i32
        %add3A_172 = vector.broadcast %add3A_171 : i32 to vector<16xi32>
        %add3A_173 = arith.addi %iota3A, %add3A_172 : vector<16xi32>
        tpu.vector_store_idx %arg13[%broadcast_in_dim3A_161, %add3A_173], %broadcast_in_dim3A_4 : memref<400x128xf32, #tpu.memory_space<vmem>>[vector<16xi32>, vector<16xi32>], vector<16xf32>,
      }
      %scan3A_104 = arith.constant 400 : i32
      %mul3A_105 = arith.constant 0 : i32
      %mul3A_106 = arith.constant 512 : i32
      %mul3A_107 = arith.muli %mul3A_105, %mul3A_106 : i32
      %add3A_108 = arith.addi %and3A_68, %mul3A_107 : i32
      %multiple_of3A = tpu.assume_multiple %add3A_108, 8 : i32
      %dma_start3A = tpu.memref_slice %arg3[%multiple_of3A] : memref<640512xi32, #tpu.memory_space<hbm>> -> memref<512xi32, #tpu.memory_space<hbm>>
      %dma_start3A_109 = tpu.memref_slice %arg3[%multiple_of3A] : memref<640512xi32, #tpu.memory_space<hbm>> -> memref<512xi32, #tpu.memory_space<hbm>>
      tpu.enqueue_dma source(%dma_start3A_109 : memref<512xi32, #tpu.memory_space<hbm>>) target(%arg9 : memref<512xi32, #tpu.memory_space<vmem>>) target_semaphore(%arg14 : memref<!tpu.dma_semaphore, #tpu.memory_space<semaphore_mem>>)
      %dma_start3A_110 = tpu.memref_slice %arg4[%multiple_of3A] : memref<640512xf32, #tpu.memory_space<hbm>> -> memref<512xf32, #tpu.memory_space<hbm>>
      %dma_start3A_111 = tpu.memref_slice %arg4[%multiple_of3A] : memref<640512xf32, #tpu.memory_space<hbm>> -> memref<512xf32, #tpu.memory_space<hbm>>
      tpu.enqueue_dma source(%dma_start3A_111 : memref<512xf32, #tpu.memory_space<hbm>>) target(%arg10 : memref<512xf32, #tpu.memory_space<vmem>>) target_semaphore(%arg14 : memref<!tpu.dma_semaphore, #tpu.memory_space<semaphore_mem>>)
      %dma_start3A_112 = tpu.memref_slice %arg5[%multiple_of3A] : memref<640512xi32, #tpu.memory_space<hbm>> -> memref<512xi32, #tpu.memory_space<hbm>>
      %dma_start3A_113 = tpu.memref_slice %arg5[%multiple_of3A] : memref<640512xi32, #tpu.memory_space<hbm>> -> memref<512xi32, #tpu.memory_space<hbm>>
      tpu.enqueue_dma source(%dma_start3A_113 : memref<512xi32, #tpu.memory_space<hbm>>) target(%arg11 : memref<512xi32, #tpu.memory_space<vmem>>) target_semaphore(%arg14 : memref<!tpu.dma_semaphore, #tpu.memory_space<semaphore_mem>>)
      %dma_wait3A = tpu.memref_slice %arg5[%multiple_of3A] : memref<640512xi32, #tpu.memory_space<hbm>> -> memref<512xi32, #tpu.memory_space<hbm>>
      %dma_wait3A_114 = tpu.memref_slice %arg5[%multiple_of3A] : memref<640512xi32, #tpu.memory_space<hbm>> -> memref<512xi32, #tpu.memory_space<hbm>>
      tpu.wait_dma2 semaphore(%arg14 : memref<!tpu.dma_semaphore, #tpu.memory_space<semaphore_mem>>) src(%dma_wait3A_114 : memref<512xi32, #tpu.memory_space<hbm>>) dst(%arg11 : memref<512xi32, #tpu.memory_space<vmem>>)
      %dma_wait3A_115 = tpu.memref_slice %arg4[%multiple_of3A] : memref<640512xf32, #tpu.memory_space<hbm>> -> memref<512xf32, #tpu.memory_space<hbm>>
      %dma_wait3A_116 = tpu.memref_slice %arg4[%multiple_of3A] : memref<640512xf32, #tpu.memory_space<hbm>> -> memref<512xf32, #tpu.memory_space<hbm>>
      tpu.wait_dma2 semaphore(%arg14 : memref<!tpu.dma_semaphore, #tpu.memory_space<semaphore_mem>>) src(%dma_wait3A_116 : memref<512xf32, #tpu.memory_space<hbm>>) dst(%arg10 : memref<512xf32, #tpu.memory_space<vmem>>)
      %dma_wait3A_117 = tpu.memref_slice %arg3[%multiple_of3A] : memref<640512xi32, #tpu.memory_space<hbm>> -> memref<512xi32, #tpu.memory_space<hbm>>
      %dma_wait3A_118 = tpu.memref_slice %arg3[%multiple_of3A] : memref<640512xi32, #tpu.memory_space<hbm>> -> memref<512xi32, #tpu.memory_space<hbm>>
      tpu.wait_dma2 semaphore(%arg14 : memref<!tpu.dma_semaphore, #tpu.memory_space<semaphore_mem>>) src(%dma_wait3A_118 : memref<512xi32, #tpu.memory_space<hbm>>) dst(%arg9 : memref<512xi32, #tpu.memory_space<vmem>>)
      %dma_start3A_119 = arith.constant 0 : i32
      %dma_start3A_120 = arith.constant 0 : i32
      %dma_start3A_121 = tpu.memref_slice %arg2[%dma_start3A_119, %dma_start3A_120] : memref<1800x128xf32, #tpu.memory_space<hbm>> -> memref<1800x128xf32, #tpu.memory_space<hbm>>
      tpu.enqueue_indirect_dma source(%dma_start3A_121 : memref<1800x128xf32, #tpu.memory_space<hbm>>) target(%arg12 : memref<512x128xf32, #tpu.memory_space<vmem>>) offsets(%arg9 : memref<512xi32, #tpu.memory_space<vmem>>) semaphore(%arg14 : memref<!tpu.dma_semaphore, #tpu.memory_space<semaphore_mem>>)
      %dma_wait3A_122 = arith.constant 0 : i32
      %dma_wait3A_123 = arith.constant 0 : i32
      %dma_wait3A_124 = tpu.memref_slice %arg2[%dma_wait3A_122, %dma_wait3A_123] : memref<1800x128xf32, #tpu.memory_space<hbm>> -> memref<1800x128xf32, #tpu.memory_space<hbm>>
      tpu.wait_indirect_dma semaphore(%arg14 : memref<!tpu.dma_semaphore, #tpu.memory_space<semaphore_mem>>) src(%dma_wait3A_124 : memref<1800x128xf32, #tpu.memory_space<hbm>>) dst(%arg12 : memref<512x128xf32, #tpu.memory_space<vmem>>)
      %broadcast_in_dim3A_125 = vector.broadcast %multiple_of3A : i32 to vector<16xi32>
      %parallel_loop3A = arith.constant 0 : i32
      %parallel_loop3A_126 = arith.constant 512 : i32
      %parallel_loop3A_127 = arith.constant 1 : i32
      scf.for %parallel_loop3A_156 = %parallel_loop3A to %parallel_loop3A_126 step %parallel_loop3A_127  : i32 {
        %parallel_loop3A_157 = vector.broadcast %parallel_loop3A_156 : i32 to vector<16xi32>
        %parallel_loop3A_158 = tpu.vector_load_idx %arg11[%parallel_loop3A_157] : memref<512xi32, #tpu.memory_space<vmem>>[vector<16xi32>], vector<16xi32>,
        %parallel_loop3A_159 = tpu.vector_load_idx %arg10[%parallel_loop3A_157] : memref<512xf32, #tpu.memory_space<vmem>>[vector<16xi32>], vector<16xf32>,
        %parallel_loop3A_160 = arith.addi %broadcast_in_dim3A_125, %parallel_loop3A_157 : vector<16xi32>
        %parallel_loop3A_161 = arith.cmpi sge, %parallel_loop3A_160, %broadcast_in_dim3A_92 : vector<16xi32>
        %parallel_loop3A_162 = arith.cmpi slt, %parallel_loop3A_160, %broadcast_in_dim3A_93 : vector<16xi32>
        %parallel_loop3A_163 = arith.andi %parallel_loop3A_161, %parallel_loop3A_162 : vector<16xi1>
        %parallel_loop3A_164 = arith.constant 0.000000e+00 : f32
        %parallel_loop3A_165 = vector.broadcast %parallel_loop3A_164 : f32 to vector<16xf32>
        %parallel_loop3A_166 = arith.select %parallel_loop3A_163, %parallel_loop3A_159, %parallel_loop3A_165 : vector<16xi1>, vector<16xf32>
        %parallel_loop3A_167 = arith.subi %parallel_loop3A_158, %broadcast_in_dim3A_99 : vector<16xi32>
        %parallel_loop3A_168 = arith.constant 0 : i32
        %parallel_loop3A_169 = vector.broadcast %parallel_loop3A_168 : i32 to vector<16xi32>
        %parallel_loop3A_170 = arith.select %parallel_loop3A_163, %parallel_loop3A_167, %parallel_loop3A_169 : vector<16xi1>, vector<16xi32>
        %parallel_loop3A_171 = arith.constant 0 : i32
        %parallel_loop3A_172 = vector.broadcast %parallel_loop3A_171 : i32 to vector<16xi32>
        %parallel_loop3A_173 = arith.addi %iota3A, %parallel_loop3A_172 : vector<16xi32>
        %parallel_loop3A_174 = tpu.vector_load_idx %arg12[%parallel_loop3A_157, %parallel_loop3A_173] : memref<512x128xf32, #tpu.memory_space<vmem>>[vector<16xi32>, vector<16xi32>], vector<16xf32>,
        %parallel_loop3A_175 = arith.mulf %parallel_loop3A_174, %parallel_loop3A_166 : vector<16xf32>
        tpu.vector_store_idx %arg13[%parallel_loop3A_170, %parallel_loop3A_173], %parallel_loop3A_175 {add = true} : memref<400x128xf32, #tpu.memory_space<vmem>>[vector<16xi32>, vector<16xi32>], vector<16xf32>,
        %parallel_loop3A_176 = arith.constant 16 : i32
        %parallel_loop3A_177 = vector.broadcast %parallel_loop3A_176 : i32 to vector<16xi32>
        %parallel_loop3A_178 = arith.addi %iota3A, %parallel_loop3A_177 : vector<16xi32>
        %parallel_loop3A_179 = tpu.vector_load_idx %arg12[%parallel_loop3A_157, %parallel_loop3A_178] : memref<512x128xf32, #tpu.memory_space<vmem>>[vector<16xi32>, vector<16xi32>], vector<16xf32>,
        %parallel_loop3A_180 = arith.mulf %parallel_loop3A_179, %parallel_loop3A_166 : vector<16xf32>
        tpu.vector_store_idx %arg13[%parallel_loop3A_170, %parallel_loop3A_178], %parallel_loop3A_180 {add = true} : memref<400x128xf32, #tpu.memory_space<vmem>>[vector<16xi32>, vector<16xi32>], vector<16xf32>,
        %parallel_loop3A_181 = arith.constant 32 : i32
        %parallel_loop3A_182 = vector.broadcast %parallel_loop3A_181 : i32 to vector<16xi32>
        %parallel_loop3A_183 = arith.addi %iota3A, %parallel_loop3A_182 : vector<16xi32>
        %parallel_loop3A_184 = tpu.vector_load_idx %arg12[%parallel_loop3A_157, %parallel_loop3A_183] : memref<512x128xf32, #tpu.memory_space<vmem>>[vector<16xi32>, vector<16xi32>], vector<16xf32>,
        %parallel_loop3A_185 = arith.mulf %parallel_loop3A_184, %parallel_loop3A_166 : vector<16xf32>
        tpu.vector_store_idx %arg13[%parallel_loop3A_170, %parallel_loop3A_183], %parallel_loop3A_185 {add = true} : memref<400x128xf32, #tpu.memory_space<vmem>>[vector<16xi32>, vector<16xi32>], vector<16xf32>,
        %parallel_loop3A_186 = arith.constant 48 : i32
        %parallel_loop3A_187 = vector.broadcast %parallel_loop3A_186 : i32 to vector<16xi32>
        %parallel_loop3A_188 = arith.addi %iota3A, %parallel_loop3A_187 : vector<16xi32>
        %parallel_loop3A_189 = tpu.vector_load_idx %arg12[%parallel_loop3A_157, %parallel_loop3A_188] : memref<512x128xf32, #tpu.memory_space<vmem>>[vector<16xi32>, vector<16xi32>], vector<16xf32>,
        %parallel_loop3A_190 = arith.mulf %parallel_loop3A_189, %parallel_loop3A_166 : vector<16xf32>
        tpu.vector_store_idx %arg13[%parallel_loop3A_170, %parallel_loop3A_188], %parallel_loop3A_190 {add = true} : memref<400x128xf32, #tpu.memory_space<vmem>>[vector<16xi32>, vector<16xi32>], vector<16xf32>,
      } {sc.loop_unroll_factor = 4 : i64, sc.parallel_access}
      %sub3A_128 = arith.constant 1 : i32
      %sub3A_129 = arith.subi %select_n3A_91, %sub3A_128 : i32
      %sub3A_130 = arith.constant 1 : i32
      %sub3A_131 = arith.subi %sub3A_129, %sub3A_130 : i32
      %sub3A_132 = arith.constant 1 : i32
      %sub3A_133 = arith.constant 1 : i32
      %sub3A_134 = arith.subi %sub3A_132, %sub3A_133 : i32
      %add3A_135 = arith.addi %sub3A_131, %sub3A_134 : i32
      %div3A_136 = arith.constant 1 : i32
      %div3A_137 = arith.divsi %add3A_135, %div3A_136 : i32
      %while3A = arith.constant 1 : i32
      %while3A_138 = arith.constant 1 : i32
      %while3A_139 = arith.constant 0 : i32
      %while3A_140 = arith.subi %div3A_137, %while3A_139 : i32
      %while3A_141 = arith.addi %while3A_139, %while3A_140 : i32
      %while3A_142 = arith.constant 1 : i32
      %while3A_143 = arith.divsi %while3A_140, %while3A_142 : i32
      %while3A_144 = arith.muli %while3A_143, %while3A_142 : i32
      %while3A_145 = arith.addi %while3A_139, %while3A_144 : i32
      %while3A_146 = arith.constant 1 : i32
      scf.for %while3A_156 = %while3A_139 to %while3A_145 step %while3A_146  : i32 {
        %mul3A_157 = arith.muli %while3A_156, %while3A : i32
        %add3A_158 = arith.addi %while3A_138, %mul3A_157 : i32
        %mul3A_159 = arith.constant 512 : i32
        %mul3A_160 = arith.muli %add3A_158, %mul3A_159 : i32
        %add3A_161 = arith.addi %and3A_68, %mul3A_160 : i32
        %multiple_of3A_162 = tpu.assume_multiple %add3A_161, 8 : i32
        %dma_start3A_163 = tpu.memref_slice %arg3[%multiple_of3A_162] : memref<640512xi32, #tpu.memory_space<hbm>> -> memref<512xi32, #tpu.memory_space<hbm>>
        %dma_start3A_164 = tpu.memref_slice %arg3[%multiple_of3A_162] : memref<640512xi32, #tpu.memory_space<hbm>> -> memref<512xi32, #tpu.memory_space<hbm>>
        tpu.enqueue_dma source(%dma_start3A_164 : memref<512xi32, #tpu.memory_space<hbm>>) target(%arg9 : memref<512xi32, #tpu.memory_space<vmem>>) target_semaphore(%arg14 : memref<!tpu.dma_semaphore, #tpu.memory_space<semaphore_mem>>)
        %dma_start3A_165 = tpu.memref_slice %arg4[%multiple_of3A_162] : memref<640512xf32, #tpu.memory_space<hbm>> -> memref<512xf32, #tpu.memory_space<hbm>>
        %dma_start3A_166 = tpu.memref_slice %arg4[%multiple_of3A_162] : memref<640512xf32, #tpu.memory_space<hbm>> -> memref<512xf32, #tpu.memory_space<hbm>>
        tpu.enqueue_dma source(%dma_start3A_166 : memref<512xf32, #tpu.memory_space<hbm>>) target(%arg10 : memref<512xf32, #tpu.memory_space<vmem>>) target_semaphore(%arg14 : memref<!tpu.dma_semaphore, #tpu.memory_space<semaphore_mem>>)
        %dma_start3A_167 = tpu.memref_slice %arg5[%multiple_of3A_162] : memref<640512xi32, #tpu.memory_space<hbm>> -> memref<512xi32, #tpu.memory_space<hbm>>
        %dma_start3A_168 = tpu.memref_slice %arg5[%multiple_of3A_162] : memref<640512xi32, #tpu.memory_space<hbm>> -> memref<512xi32, #tpu.memory_space<hbm>>
        tpu.enqueue_dma source(%dma_start3A_168 : memref<512xi32, #tpu.memory_space<hbm>>) target(%arg11 : memref<512xi32, #tpu.memory_space<vmem>>) target_semaphore(%arg14 : memref<!tpu.dma_semaphore, #tpu.memory_space<semaphore_mem>>)
        %dma_wait3A_169 = tpu.memref_slice %arg5[%multiple_of3A_162] : memref<640512xi32, #tpu.memory_space<hbm>> -> memref<512xi32, #tpu.memory_space<hbm>>
        %dma_wait3A_170 = tpu.memref_slice %arg5[%multiple_of3A_162] : memref<640512xi32, #tpu.memory_space<hbm>> -> memref<512xi32, #tpu.memory_space<hbm>>
        tpu.wait_dma2 semaphore(%arg14 : memref<!tpu.dma_semaphore, #tpu.memory_space<semaphore_mem>>) src(%dma_wait3A_170 : memref<512xi32, #tpu.memory_space<hbm>>) dst(%arg11 : memref<512xi32, #tpu.memory_space<vmem>>)
        %dma_wait3A_171 = tpu.memref_slice %arg4[%multiple_of3A_162] : memref<640512xf32, #tpu.memory_space<hbm>> -> memref<512xf32, #tpu.memory_space<hbm>>
        %dma_wait3A_172 = tpu.memref_slice %arg4[%multiple_of3A_162] : memref<640512xf32, #tpu.memory_space<hbm>> -> memref<512xf32, #tpu.memory_space<hbm>>
        tpu.wait_dma2 semaphore(%arg14 : memref<!tpu.dma_semaphore, #tpu.memory_space<semaphore_mem>>) src(%dma_wait3A_172 : memref<512xf32, #tpu.memory_space<hbm>>) dst(%arg10 : memref<512xf32, #tpu.memory_space<vmem>>)
        %dma_wait3A_173 = tpu.memref_slice %arg3[%multiple_of3A_162] : memref<640512xi32, #tpu.memory_space<hbm>> -> memref<512xi32, #tpu.memory_space<hbm>>
        %dma_wait3A_174 = tpu.memref_slice %arg3[%multiple_of3A_162] : memref<640512xi32, #tpu.memory_space<hbm>> -> memref<512xi32, #tpu.memory_space<hbm>>
        tpu.wait_dma2 semaphore(%arg14 : memref<!tpu.dma_semaphore, #tpu.memory_space<semaphore_mem>>) src(%dma_wait3A_174 : memref<512xi32, #tpu.memory_space<hbm>>) dst(%arg9 : memref<512xi32, #tpu.memory_space<vmem>>)
        %dma_start3A_175 = arith.constant 0 : i32
        %dma_start3A_176 = arith.constant 0 : i32
        %dma_start3A_177 = tpu.memref_slice %arg2[%dma_start3A_175, %dma_start3A_176] : memref<1800x128xf32, #tpu.memory_space<hbm>> -> memref<1800x128xf32, #tpu.memory_space<hbm>>
        tpu.enqueue_indirect_dma source(%dma_start3A_177 : memref<1800x128xf32, #tpu.memory_space<hbm>>) target(%arg12 : memref<512x128xf32, #tpu.memory_space<vmem>>) offsets(%arg9 : memref<512xi32, #tpu.memory_space<vmem>>) semaphore(%arg14 : memref<!tpu.dma_semaphore, #tpu.memory_space<semaphore_mem>>)
        %dma_wait3A_178 = arith.constant 0 : i32
        %dma_wait3A_179 = arith.constant 0 : i32
        %dma_wait3A_180 = tpu.memref_slice %arg2[%dma_wait3A_178, %dma_wait3A_179] : memref<1800x128xf32, #tpu.memory_space<hbm>> -> memref<1800x128xf32, #tpu.memory_space<hbm>>
        tpu.wait_indirect_dma semaphore(%arg14 : memref<!tpu.dma_semaphore, #tpu.memory_space<semaphore_mem>>) src(%dma_wait3A_180 : memref<1800x128xf32, #tpu.memory_space<hbm>>) dst(%arg12 : memref<512x128xf32, #tpu.memory_space<vmem>>)
        %parallel_loop3A_181 = arith.constant 0 : i32
        %parallel_loop3A_182 = arith.constant 512 : i32
        %parallel_loop3A_183 = arith.constant 1 : i32
        scf.for %parallel_loop3A_184 = %parallel_loop3A_181 to %parallel_loop3A_182 step %parallel_loop3A_183  : i32 {
          %parallel_loop3A_185 = vector.broadcast %parallel_loop3A_184 : i32 to vector<16xi32>
          %parallel_loop3A_186 = tpu.vector_load_idx %arg11[%parallel_loop3A_185] : memref<512xi32, #tpu.memory_space<vmem>>[vector<16xi32>], vector<16xi32>,
          %parallel_loop3A_187 = tpu.vector_load_idx %arg10[%parallel_loop3A_185] : memref<512xf32, #tpu.memory_space<vmem>>[vector<16xi32>], vector<16xf32>,
          %parallel_loop3A_188 = arith.subi %parallel_loop3A_186, %broadcast_in_dim3A_99 : vector<16xi32>
          %parallel_loop3A_189 = arith.constant 0 : i32
          %parallel_loop3A_190 = vector.broadcast %parallel_loop3A_189 : i32 to vector<16xi32>
          %parallel_loop3A_191 = arith.addi %iota3A, %parallel_loop3A_190 : vector<16xi32>
          %parallel_loop3A_192 = tpu.vector_load_idx %arg12[%parallel_loop3A_185, %parallel_loop3A_191] : memref<512x128xf32, #tpu.memory_space<vmem>>[vector<16xi32>, vector<16xi32>], vector<16xf32>,
          %parallel_loop3A_193 = arith.mulf %parallel_loop3A_192, %parallel_loop3A_187 : vector<16xf32>
          tpu.vector_store_idx %arg13[%parallel_loop3A_188, %parallel_loop3A_191], %parallel_loop3A_193 {add = true} : memref<400x128xf32, #tpu.memory_space<vmem>>[vector<16xi32>, vector<16xi32>], vector<16xf32>,
          %parallel_loop3A_194 = arith.constant 16 : i32
          %parallel_loop3A_195 = vector.broadcast %parallel_loop3A_194 : i32 to vector<16xi32>
          %parallel_loop3A_196 = arith.addi %iota3A, %parallel_loop3A_195 : vector<16xi32>
          %parallel_loop3A_197 = tpu.vector_load_idx %arg12[%parallel_loop3A_185, %parallel_loop3A_196] : memref<512x128xf32, #tpu.memory_space<vmem>>[vector<16xi32>, vector<16xi32>], vector<16xf32>,
          %parallel_loop3A_198 = arith.mulf %parallel_loop3A_197, %parallel_loop3A_187 : vector<16xf32>
          tpu.vector_store_idx %arg13[%parallel_loop3A_188, %parallel_loop3A_196], %parallel_loop3A_198 {add = true} : memref<400x128xf32, #tpu.memory_space<vmem>>[vector<16xi32>, vector<16xi32>], vector<16xf32>,
          %parallel_loop3A_199 = arith.constant 32 : i32
          %parallel_loop3A_200 = vector.broadcast %parallel_loop3A_199 : i32 to vector<16xi32>
          %parallel_loop3A_201 = arith.addi %iota3A, %parallel_loop3A_200 : vector<16xi32>
          %parallel_loop3A_202 = tpu.vector_load_idx %arg12[%parallel_loop3A_185, %parallel_loop3A_201] : memref<512x128xf32, #tpu.memory_space<vmem>>[vector<16xi32>, vector<16xi32>], vector<16xf32>,
          %parallel_loop3A_203 = arith.mulf %parallel_loop3A_202, %parallel_loop3A_187 : vector<16xf32>
          tpu.vector_store_idx %arg13[%parallel_loop3A_188, %parallel_loop3A_201], %parallel_loop3A_203 {add = true} : memref<400x128xf32, #tpu.memory_space<vmem>>[vector<16xi32>, vector<16xi32>], vector<16xf32>,
          %parallel_loop3A_204 = arith.constant 48 : i32
          %parallel_loop3A_205 = vector.broadcast %parallel_loop3A_204 : i32 to vector<16xi32>
          %parallel_loop3A_206 = arith.addi %iota3A, %parallel_loop3A_205 : vector<16xi32>
          %parallel_loop3A_207 = tpu.vector_load_idx %arg12[%parallel_loop3A_185, %parallel_loop3A_206] : memref<512x128xf32, #tpu.memory_space<vmem>>[vector<16xi32>, vector<16xi32>], vector<16xf32>,
          %parallel_loop3A_208 = arith.mulf %parallel_loop3A_207, %parallel_loop3A_187 : vector<16xf32>
          tpu.vector_store_idx %arg13[%parallel_loop3A_188, %parallel_loop3A_206], %parallel_loop3A_208 {add = true} : memref<400x128xf32, #tpu.memory_space<vmem>>[vector<16xi32>, vector<16xi32>], vector<16xf32>,
        } {sc.loop_unroll_factor = 4 : i64, sc.parallel_access}
      }
      %while3A_147 = arith.constant 1 : i32
      scf.for %while3A_156 = %while3A_145 to %while3A_141 step %while3A_147  : i32 {
        %mul3A_157 = arith.muli %while3A_156, %while3A : i32
        %add3A_158 = arith.addi %while3A_138, %mul3A_157 : i32
        %mul3A_159 = arith.constant 512 : i32
        %mul3A_160 = arith.muli %add3A_158, %mul3A_159 : i32
        %add3A_161 = arith.addi %and3A_68, %mul3A_160 : i32
        %multiple_of3A_162 = tpu.assume_multiple %add3A_161, 8 : i32
        %dma_start3A_163 = tpu.memref_slice %arg3[%multiple_of3A_162] : memref<640512xi32, #tpu.memory_space<hbm>> -> memref<512xi32, #tpu.memory_space<hbm>>
        %dma_start3A_164 = tpu.memref_slice %arg3[%multiple_of3A_162] : memref<640512xi32, #tpu.memory_space<hbm>> -> memref<512xi32, #tpu.memory_space<hbm>>
        tpu.enqueue_dma source(%dma_start3A_164 : memref<512xi32, #tpu.memory_space<hbm>>) target(%arg9 : memref<512xi32, #tpu.memory_space<vmem>>) target_semaphore(%arg14 : memref<!tpu.dma_semaphore, #tpu.memory_space<semaphore_mem>>)
        %dma_start3A_165 = tpu.memref_slice %arg4[%multiple_of3A_162] : memref<640512xf32, #tpu.memory_space<hbm>> -> memref<512xf32, #tpu.memory_space<hbm>>
        %dma_start3A_166 = tpu.memref_slice %arg4[%multiple_of3A_162] : memref<640512xf32, #tpu.memory_space<hbm>> -> memref<512xf32, #tpu.memory_space<hbm>>
        tpu.enqueue_dma source(%dma_start3A_166 : memref<512xf32, #tpu.memory_space<hbm>>) target(%arg10 : memref<512xf32, #tpu.memory_space<vmem>>) target_semaphore(%arg14 : memref<!tpu.dma_semaphore, #tpu.memory_space<semaphore_mem>>)
        %dma_start3A_167 = tpu.memref_slice %arg5[%multiple_of3A_162] : memref<640512xi32, #tpu.memory_space<hbm>> -> memref<512xi32, #tpu.memory_space<hbm>>
        %dma_start3A_168 = tpu.memref_slice %arg5[%multiple_of3A_162] : memref<640512xi32, #tpu.memory_space<hbm>> -> memref<512xi32, #tpu.memory_space<hbm>>
        tpu.enqueue_dma source(%dma_start3A_168 : memref<512xi32, #tpu.memory_space<hbm>>) target(%arg11 : memref<512xi32, #tpu.memory_space<vmem>>) target_semaphore(%arg14 : memref<!tpu.dma_semaphore, #tpu.memory_space<semaphore_mem>>)
        %dma_wait3A_169 = tpu.memref_slice %arg5[%multiple_of3A_162] : memref<640512xi32, #tpu.memory_space<hbm>> -> memref<512xi32, #tpu.memory_space<hbm>>
        %dma_wait3A_170 = tpu.memref_slice %arg5[%multiple_of3A_162] : memref<640512xi32, #tpu.memory_space<hbm>> -> memref<512xi32, #tpu.memory_space<hbm>>
        tpu.wait_dma2 semaphore(%arg14 : memref<!tpu.dma_semaphore, #tpu.memory_space<semaphore_mem>>) src(%dma_wait3A_170 : memref<512xi32, #tpu.memory_space<hbm>>) dst(%arg11 : memref<512xi32, #tpu.memory_space<vmem>>)
        %dma_wait3A_171 = tpu.memref_slice %arg4[%multiple_of3A_162] : memref<640512xf32, #tpu.memory_space<hbm>> -> memref<512xf32, #tpu.memory_space<hbm>>
        %dma_wait3A_172 = tpu.memref_slice %arg4[%multiple_of3A_162] : memref<640512xf32, #tpu.memory_space<hbm>> -> memref<512xf32, #tpu.memory_space<hbm>>
        tpu.wait_dma2 semaphore(%arg14 : memref<!tpu.dma_semaphore, #tpu.memory_space<semaphore_mem>>) src(%dma_wait3A_172 : memref<512xf32, #tpu.memory_space<hbm>>) dst(%arg10 : memref<512xf32, #tpu.memory_space<vmem>>)
        %dma_wait3A_173 = tpu.memref_slice %arg3[%multiple_of3A_162] : memref<640512xi32, #tpu.memory_space<hbm>> -> memref<512xi32, #tpu.memory_space<hbm>>
        %dma_wait3A_174 = tpu.memref_slice %arg3[%multiple_of3A_162] : memref<640512xi32, #tpu.memory_space<hbm>> -> memref<512xi32, #tpu.memory_space<hbm>>
        tpu.wait_dma2 semaphore(%arg14 : memref<!tpu.dma_semaphore, #tpu.memory_space<semaphore_mem>>) src(%dma_wait3A_174 : memref<512xi32, #tpu.memory_space<hbm>>) dst(%arg9 : memref<512xi32, #tpu.memory_space<vmem>>)
        %dma_start3A_175 = arith.constant 0 : i32
        %dma_start3A_176 = arith.constant 0 : i32
        %dma_start3A_177 = tpu.memref_slice %arg2[%dma_start3A_175, %dma_start3A_176] : memref<1800x128xf32, #tpu.memory_space<hbm>> -> memref<1800x128xf32, #tpu.memory_space<hbm>>
        tpu.enqueue_indirect_dma source(%dma_start3A_177 : memref<1800x128xf32, #tpu.memory_space<hbm>>) target(%arg12 : memref<512x128xf32, #tpu.memory_space<vmem>>) offsets(%arg9 : memref<512xi32, #tpu.memory_space<vmem>>) semaphore(%arg14 : memref<!tpu.dma_semaphore, #tpu.memory_space<semaphore_mem>>)
        %dma_wait3A_178 = arith.constant 0 : i32
        %dma_wait3A_179 = arith.constant 0 : i32
        %dma_wait3A_180 = tpu.memref_slice %arg2[%dma_wait3A_178, %dma_wait3A_179] : memref<1800x128xf32, #tpu.memory_space<hbm>> -> memref<1800x128xf32, #tpu.memory_space<hbm>>
        tpu.wait_indirect_dma semaphore(%arg14 : memref<!tpu.dma_semaphore, #tpu.memory_space<semaphore_mem>>) src(%dma_wait3A_180 : memref<1800x128xf32, #tpu.memory_space<hbm>>) dst(%arg12 : memref<512x128xf32, #tpu.memory_space<vmem>>)
        %parallel_loop3A_181 = arith.constant 0 : i32
        %parallel_loop3A_182 = arith.constant 512 : i32
        %parallel_loop3A_183 = arith.constant 1 : i32
        scf.for %parallel_loop3A_184 = %parallel_loop3A_181 to %parallel_loop3A_182 step %parallel_loop3A_183  : i32 {
          %parallel_loop3A_185 = vector.broadcast %parallel_loop3A_184 : i32 to vector<16xi32>
          %parallel_loop3A_186 = tpu.vector_load_idx %arg11[%parallel_loop3A_185] : memref<512xi32, #tpu.memory_space<vmem>>[vector<16xi32>], vector<16xi32>,
          %parallel_loop3A_187 = tpu.vector_load_idx %arg10[%parallel_loop3A_185] : memref<512xf32, #tpu.memory_space<vmem>>[vector<16xi32>], vector<16xf32>,
          %parallel_loop3A_188 = arith.subi %parallel_loop3A_186, %broadcast_in_dim3A_99 : vector<16xi32>
          %parallel_loop3A_189 = arith.constant 0 : i32
          %parallel_loop3A_190 = vector.broadcast %parallel_loop3A_189 : i32 to vector<16xi32>
          %parallel_loop3A_191 = arith.addi %iota3A, %parallel_loop3A_190 : vector<16xi32>
          %parallel_loop3A_192 = tpu.vector_load_idx %arg12[%parallel_loop3A_185, %parallel_loop3A_191] : memref<512x128xf32, #tpu.memory_space<vmem>>[vector<16xi32>, vector<16xi32>], vector<16xf32>,
          %parallel_loop3A_193 = arith.mulf %parallel_loop3A_192, %parallel_loop3A_187 : vector<16xf32>
          tpu.vector_store_idx %arg13[%parallel_loop3A_188, %parallel_loop3A_191], %parallel_loop3A_193 {add = true} : memref<400x128xf32, #tpu.memory_space<vmem>>[vector<16xi32>, vector<16xi32>], vector<16xf32>,
          %parallel_loop3A_194 = arith.constant 16 : i32
          %parallel_loop3A_195 = vector.broadcast %parallel_loop3A_194 : i32 to vector<16xi32>
          %parallel_loop3A_196 = arith.addi %iota3A, %parallel_loop3A_195 : vector<16xi32>
          %parallel_loop3A_197 = tpu.vector_load_idx %arg12[%parallel_loop3A_185, %parallel_loop3A_196] : memref<512x128xf32, #tpu.memory_space<vmem>>[vector<16xi32>, vector<16xi32>], vector<16xf32>,
          %parallel_loop3A_198 = arith.mulf %parallel_loop3A_197, %parallel_loop3A_187 : vector<16xf32>
          tpu.vector_store_idx %arg13[%parallel_loop3A_188, %parallel_loop3A_196], %parallel_loop3A_198 {add = true} : memref<400x128xf32, #tpu.memory_space<vmem>>[vector<16xi32>, vector<16xi32>], vector<16xf32>,
          %parallel_loop3A_199 = arith.constant 32 : i32
          %parallel_loop3A_200 = vector.broadcast %parallel_loop3A_199 : i32 to vector<16xi32>
          %parallel_loop3A_201 = arith.addi %iota3A, %parallel_loop3A_200 : vector<16xi32>
          %parallel_loop3A_202 = tpu.vector_load_idx %arg12[%parallel_loop3A_185, %parallel_loop3A_201] : memref<512x128xf32, #tpu.memory_space<vmem>>[vector<16xi32>, vector<16xi32>], vector<16xf32>,
          %parallel_loop3A_203 = arith.mulf %parallel_loop3A_202, %parallel_loop3A_187 : vector<16xf32>
          tpu.vector_store_idx %arg13[%parallel_loop3A_188, %parallel_loop3A_201], %parallel_loop3A_203 {add = true} : memref<400x128xf32, #tpu.memory_space<vmem>>[vector<16xi32>, vector<16xi32>], vector<16xf32>,
          %parallel_loop3A_204 = arith.constant 48 : i32
          %parallel_loop3A_205 = vector.broadcast %parallel_loop3A_204 : i32 to vector<16xi32>
          %parallel_loop3A_206 = arith.addi %iota3A, %parallel_loop3A_205 : vector<16xi32>
          %parallel_loop3A_207 = tpu.vector_load_idx %arg12[%parallel_loop3A_185, %parallel_loop3A_206] : memref<512x128xf32, #tpu.memory_space<vmem>>[vector<16xi32>, vector<16xi32>], vector<16xf32>,
          %parallel_loop3A_208 = arith.mulf %parallel_loop3A_207, %parallel_loop3A_187 : vector<16xf32>
          tpu.vector_store_idx %arg13[%parallel_loop3A_188, %parallel_loop3A_206], %parallel_loop3A_208 {add = true} : memref<400x128xf32, #tpu.memory_space<vmem>>[vector<16xi32>, vector<16xi32>], vector<16xf32>,
        } {sc.loop_unroll_factor = 4 : i64, sc.parallel_access}
      }
      %ge3A = arith.constant 2 : i32
      %ge3A_148 = arith.cmpi sge, %select_n3A_91, %ge3A : i32
      %convert_element_type3A = arith.extui %ge3A_148 : i1 to i32
      %cond3A = arith.constant 0 : i32
      %cond3A_149 = arith.cmpi ne, %convert_element_type3A, %cond3A : i32
      scf.if %cond3A_149 {
        %sub3A_156 = arith.constant 1 : i32
        %sub3A_157 = arith.subi %select_n3A_91, %sub3A_156 : i32
        %mul3A_158 = arith.constant 512 : i32
        %mul3A_159 = arith.muli %sub3A_157, %mul3A_158 : i32
        %add3A_160 = arith.addi %and3A_68, %mul3A_159 : i32
        %multiple_of3A_161 = tpu.assume_multiple %add3A_160, 8 : i32
        %dma_start3A_162 = tpu.memref_slice %arg3[%multiple_of3A_161] : memref<640512xi32, #tpu.memory_space<hbm>> -> memref<512xi32, #tpu.memory_space<hbm>>
        %dma_start3A_163 = tpu.memref_slice %arg3[%multiple_of3A_161] : memref<640512xi32, #tpu.memory_space<hbm>> -> memref<512xi32, #tpu.memory_space<hbm>>
        tpu.enqueue_dma source(%dma_start3A_163 : memref<512xi32, #tpu.memory_space<hbm>>) target(%arg9 : memref<512xi32, #tpu.memory_space<vmem>>) target_semaphore(%arg14 : memref<!tpu.dma_semaphore, #tpu.memory_space<semaphore_mem>>)
        %dma_start3A_164 = tpu.memref_slice %arg4[%multiple_of3A_161] : memref<640512xf32, #tpu.memory_space<hbm>> -> memref<512xf32, #tpu.memory_space<hbm>>
        %dma_start3A_165 = tpu.memref_slice %arg4[%multiple_of3A_161] : memref<640512xf32, #tpu.memory_space<hbm>> -> memref<512xf32, #tpu.memory_space<hbm>>
        tpu.enqueue_dma source(%dma_start3A_165 : memref<512xf32, #tpu.memory_space<hbm>>) target(%arg10 : memref<512xf32, #tpu.memory_space<vmem>>) target_semaphore(%arg14 : memref<!tpu.dma_semaphore, #tpu.memory_space<semaphore_mem>>)
        %dma_start3A_166 = tpu.memref_slice %arg5[%multiple_of3A_161] : memref<640512xi32, #tpu.memory_space<hbm>> -> memref<512xi32, #tpu.memory_space<hbm>>
        %dma_start3A_167 = tpu.memref_slice %arg5[%multiple_of3A_161] : memref<640512xi32, #tpu.memory_space<hbm>> -> memref<512xi32, #tpu.memory_space<hbm>>
        tpu.enqueue_dma source(%dma_start3A_167 : memref<512xi32, #tpu.memory_space<hbm>>) target(%arg11 : memref<512xi32, #tpu.memory_space<vmem>>) target_semaphore(%arg14 : memref<!tpu.dma_semaphore, #tpu.memory_space<semaphore_mem>>)
        %dma_wait3A_168 = tpu.memref_slice %arg5[%multiple_of3A_161] : memref<640512xi32, #tpu.memory_space<hbm>> -> memref<512xi32, #tpu.memory_space<hbm>>
        %dma_wait3A_169 = tpu.memref_slice %arg5[%multiple_of3A_161] : memref<640512xi32, #tpu.memory_space<hbm>> -> memref<512xi32, #tpu.memory_space<hbm>>
        tpu.wait_dma2 semaphore(%arg14 : memref<!tpu.dma_semaphore, #tpu.memory_space<semaphore_mem>>) src(%dma_wait3A_169 : memref<512xi32, #tpu.memory_space<hbm>>) dst(%arg11 : memref<512xi32, #tpu.memory_space<vmem>>)
        %dma_wait3A_170 = tpu.memref_slice %arg4[%multiple_of3A_161] : memref<640512xf32, #tpu.memory_space<hbm>> -> memref<512xf32, #tpu.memory_space<hbm>>
        %dma_wait3A_171 = tpu.memref_slice %arg4[%multiple_of3A_161] : memref<640512xf32, #tpu.memory_space<hbm>> -> memref<512xf32, #tpu.memory_space<hbm>>
        tpu.wait_dma2 semaphore(%arg14 : memref<!tpu.dma_semaphore, #tpu.memory_space<semaphore_mem>>) src(%dma_wait3A_171 : memref<512xf32, #tpu.memory_space<hbm>>) dst(%arg10 : memref<512xf32, #tpu.memory_space<vmem>>)
        %dma_wait3A_172 = tpu.memref_slice %arg3[%multiple_of3A_161] : memref<640512xi32, #tpu.memory_space<hbm>> -> memref<512xi32, #tpu.memory_space<hbm>>
        %dma_wait3A_173 = tpu.memref_slice %arg3[%multiple_of3A_161] : memref<640512xi32, #tpu.memory_space<hbm>> -> memref<512xi32, #tpu.memory_space<hbm>>
        tpu.wait_dma2 semaphore(%arg14 : memref<!tpu.dma_semaphore, #tpu.memory_space<semaphore_mem>>) src(%dma_wait3A_173 : memref<512xi32, #tpu.memory_space<hbm>>) dst(%arg9 : memref<512xi32, #tpu.memory_space<vmem>>)
        %dma_start3A_174 = arith.constant 0 : i32
        %dma_start3A_175 = arith.constant 0 : i32
        %dma_start3A_176 = tpu.memref_slice %arg2[%dma_start3A_174, %dma_start3A_175] : memref<1800x128xf32, #tpu.memory_space<hbm>> -> memref<1800x128xf32, #tpu.memory_space<hbm>>
        tpu.enqueue_indirect_dma source(%dma_start3A_176 : memref<1800x128xf32, #tpu.memory_space<hbm>>) target(%arg12 : memref<512x128xf32, #tpu.memory_space<vmem>>) offsets(%arg9 : memref<512xi32, #tpu.memory_space<vmem>>) semaphore(%arg14 : memref<!tpu.dma_semaphore, #tpu.memory_space<semaphore_mem>>)
        %dma_wait3A_177 = arith.constant 0 : i32
        %dma_wait3A_178 = arith.constant 0 : i32
        %dma_wait3A_179 = tpu.memref_slice %arg2[%dma_wait3A_177, %dma_wait3A_178] : memref<1800x128xf32, #tpu.memory_space<hbm>> -> memref<1800x128xf32, #tpu.memory_space<hbm>>
        tpu.wait_indirect_dma semaphore(%arg14 : memref<!tpu.dma_semaphore, #tpu.memory_space<semaphore_mem>>) src(%dma_wait3A_179 : memref<1800x128xf32, #tpu.memory_space<hbm>>) dst(%arg12 : memref<512x128xf32, #tpu.memory_space<vmem>>)
        %broadcast_in_dim3A_180 = vector.broadcast %multiple_of3A_161 : i32 to vector<16xi32>
        %parallel_loop3A_181 = arith.constant 0 : i32
        %parallel_loop3A_182 = arith.constant 512 : i32
        %parallel_loop3A_183 = arith.constant 1 : i32
        scf.for %parallel_loop3A_184 = %parallel_loop3A_181 to %parallel_loop3A_182 step %parallel_loop3A_183  : i32 {
          %parallel_loop3A_185 = vector.broadcast %parallel_loop3A_184 : i32 to vector<16xi32>
          %parallel_loop3A_186 = tpu.vector_load_idx %arg11[%parallel_loop3A_185] : memref<512xi32, #tpu.memory_space<vmem>>[vector<16xi32>], vector<16xi32>,
          %parallel_loop3A_187 = tpu.vector_load_idx %arg10[%parallel_loop3A_185] : memref<512xf32, #tpu.memory_space<vmem>>[vector<16xi32>], vector<16xf32>,
          %parallel_loop3A_188 = arith.addi %broadcast_in_dim3A_180, %parallel_loop3A_185 : vector<16xi32>
          %parallel_loop3A_189 = arith.cmpi sge, %parallel_loop3A_188, %broadcast_in_dim3A_92 : vector<16xi32>
          %parallel_loop3A_190 = arith.cmpi slt, %parallel_loop3A_188, %broadcast_in_dim3A_93 : vector<16xi32>
          %parallel_loop3A_191 = arith.andi %parallel_loop3A_189, %parallel_loop3A_190 : vector<16xi1>
          %parallel_loop3A_192 = arith.constant 0.000000e+00 : f32
          %parallel_loop3A_193 = vector.broadcast %parallel_loop3A_192 : f32 to vector<16xf32>
          %parallel_loop3A_194 = arith.select %parallel_loop3A_191, %parallel_loop3A_187, %parallel_loop3A_193 : vector<16xi1>, vector<16xf32>
          %parallel_loop3A_195 = arith.subi %parallel_loop3A_186, %broadcast_in_dim3A_99 : vector<16xi32>
          %parallel_loop3A_196 = arith.constant 0 : i32
          %parallel_loop3A_197 = vector.broadcast %parallel_loop3A_196 : i32 to vector<16xi32>
          %parallel_loop3A_198 = arith.select %parallel_loop3A_191, %parallel_loop3A_195, %parallel_loop3A_197 : vector<16xi1>, vector<16xi32>
          %parallel_loop3A_199 = arith.constant 0 : i32
          %parallel_loop3A_200 = vector.broadcast %parallel_loop3A_199 : i32 to vector<16xi32>
          %parallel_loop3A_201 = arith.addi %iota3A, %parallel_loop3A_200 : vector<16xi32>
          %parallel_loop3A_202 = tpu.vector_load_idx %arg12[%parallel_loop3A_185, %parallel_loop3A_201] : memref<512x128xf32, #tpu.memory_space<vmem>>[vector<16xi32>, vector<16xi32>], vector<16xf32>,
          %parallel_loop3A_203 = arith.mulf %parallel_loop3A_202, %parallel_loop3A_194 : vector<16xf32>
          tpu.vector_store_idx %arg13[%parallel_loop3A_198, %parallel_loop3A_201], %parallel_loop3A_203 {add = true} : memref<400x128xf32, #tpu.memory_space<vmem>>[vector<16xi32>, vector<16xi32>], vector<16xf32>,
          %parallel_loop3A_204 = arith.constant 16 : i32
          %parallel_loop3A_205 = vector.broadcast %parallel_loop3A_204 : i32 to vector<16xi32>
          %parallel_loop3A_206 = arith.addi %iota3A, %parallel_loop3A_205 : vector<16xi32>
          %parallel_loop3A_207 = tpu.vector_load_idx %arg12[%parallel_loop3A_185, %parallel_loop3A_206] : memref<512x128xf32, #tpu.memory_space<vmem>>[vector<16xi32>, vector<16xi32>], vector<16xf32>,
          %parallel_loop3A_208 = arith.mulf %parallel_loop3A_207, %parallel_loop3A_194 : vector<16xf32>
          tpu.vector_store_idx %arg13[%parallel_loop3A_198, %parallel_loop3A_206], %parallel_loop3A_208 {add = true} : memref<400x128xf32, #tpu.memory_space<vmem>>[vector<16xi32>, vector<16xi32>], vector<16xf32>,
          %parallel_loop3A_209 = arith.constant 32 : i32
          %parallel_loop3A_210 = vector.broadcast %parallel_loop3A_209 : i32 to vector<16xi32>
          %parallel_loop3A_211 = arith.addi %iota3A, %parallel_loop3A_210 : vector<16xi32>
          %parallel_loop3A_212 = tpu.vector_load_idx %arg12[%parallel_loop3A_185, %parallel_loop3A_211] : memref<512x128xf32, #tpu.memory_space<vmem>>[vector<16xi32>, vector<16xi32>], vector<16xf32>,
          %parallel_loop3A_213 = arith.mulf %parallel_loop3A_212, %parallel_loop3A_194 : vector<16xf32>
          tpu.vector_store_idx %arg13[%parallel_loop3A_198, %parallel_loop3A_211], %parallel_loop3A_213 {add = true} : memref<400x128xf32, #tpu.memory_space<vmem>>[vector<16xi32>, vector<16xi32>], vector<16xf32>,
          %parallel_loop3A_214 = arith.constant 48 : i32
          %parallel_loop3A_215 = vector.broadcast %parallel_loop3A_214 : i32 to vector<16xi32>
          %parallel_loop3A_216 = arith.addi %iota3A, %parallel_loop3A_215 : vector<16xi32>
          %parallel_loop3A_217 = tpu.vector_load_idx %arg12[%parallel_loop3A_185, %parallel_loop3A_216] : memref<512x128xf32, #tpu.memory_space<vmem>>[vector<16xi32>, vector<16xi32>], vector<16xf32>,
          %parallel_loop3A_218 = arith.mulf %parallel_loop3A_217, %parallel_loop3A_194 : vector<16xf32>
          tpu.vector_store_idx %arg13[%parallel_loop3A_198, %parallel_loop3A_216], %parallel_loop3A_218 {add = true} : memref<400x128xf32, #tpu.memory_space<vmem>>[vector<16xi32>, vector<16xi32>], vector<16xf32>,
        } {sc.loop_unroll_factor = 4 : i64, sc.parallel_access}
      } else {
      }
      %mul3A_150 = arith.constant 10000 : i32
      %mul3A_151 = arith.muli %add3A, %mul3A_150 : i32
      %mul3A_152 = arith.constant 400 : i32
      %mul3A_153 = arith.muli %add3A_13, %mul3A_152 : i32
      %add3A_154 = arith.addi %mul3A_151, %mul3A_153 : i32
      %multiple_of3A_155 = tpu.assume_multiple %add3A_154, 8 : i32
      "tpu.region"() ({
        %run_scoped3A = tpu.sem_alloc : memref<!tpu.dma_semaphore, #tpu.memory_space<semaphore_mem>>
        %dma_start3A_156 = arith.constant 0 : i32
        %dma_start3A_157 = tpu.memref_slice %arg7[%multiple_of3A_155, %dma_start3A_156] : memref<320000x128xf32, #tpu.memory_space<hbm>> -> memref<400x128xf32, #tpu.memory_space<hbm>>
        %dma_start3A_158 = arith.constant 0 : i32
        %dma_start3A_159 = tpu.memref_slice %arg7[%multiple_of3A_155, %dma_start3A_158] : memref<320000x128xf32, #tpu.memory_space<hbm>> -> memref<400x128xf32, #tpu.memory_space<hbm>>
        tpu.enqueue_dma source(%arg13 : memref<400x128xf32, #tpu.memory_space<vmem>>) target(%dma_start3A_159 : memref<400x128xf32, #tpu.memory_space<hbm>>) target_semaphore(%run_scoped3A : memref<!tpu.dma_semaphore, #tpu.memory_space<semaphore_mem>>)
        %dma_wait3A_160 = arith.constant 0 : i32
        %dma_wait3A_161 = tpu.memref_slice %arg7[%multiple_of3A_155, %dma_wait3A_160] : memref<320000x128xf32, #tpu.memory_space<hbm>> -> memref<400x128xf32, #tpu.memory_space<hbm>>
        %dma_wait3A_162 = arith.constant 0 : i32
        %dma_wait3A_163 = tpu.memref_slice %arg7[%multiple_of3A_155, %dma_wait3A_162] : memref<320000x128xf32, #tpu.memory_space<hbm>> -> memref<400x128xf32, #tpu.memory_space<hbm>>
        tpu.wait_dma2 semaphore(%run_scoped3A : memref<!tpu.dma_semaphore, #tpu.memory_space<semaphore_mem>>) src(%arg13 : memref<400x128xf32, #tpu.memory_space<vmem>>) dst(%dma_wait3A_163 : memref<400x128xf32, #tpu.memory_space<hbm>>)
        tpu.yield
      }) : () -> ()
    }
    %scan3A_8 = arith.constant 25 : i32
    return
  }
}

</mosaic_0001>

<sc_bundles>
// kernel: _z0_sc.3.cloned.1.call-start
scs
__scs_entry_jumppad:
0x0: {  	(pc) =	sbr.rel $0x88, $3  }
0x1: {  	(tag) =	ssettag $0x0;
	lr =	simm.s32 $0x1  }
0x2: {  	[smem:$0x3F9D] =	sst lr;
	_ =	strace $0xD0000000  }
0x3: {  	_ = 	snop  }
0x4: {  	_ = 	snop  }
0x5: {  	_ = 	snop  }
0x6: {  	_ = 	snop  }
0x7: {  	_ = 	snop  }
__scs_overlays_trampoline_lowered:
0x8: {  	[smem:$0x3FAC] =	sst s0  }
0x9: {  	[smem:$0x3FAD] =	sst s1  }
0xa: {  	[smem:$0x3FAE] =	sst s2  }
0xb: {  	[smem:$0x3FAF] =	sst s3  }
0xc: {  	[smem:$0x3FB0] =	sst s4  }
0xd: {  	[smem:$0x3FB1] =	sst s5  }
0xe: {  	[smem:$0x3FB2] =	sst s6  }
0xf: {  	[smem:$0x3FB3] =	sst s7  }
0x10: {  	[smem:$0x3FB4] =	sst s8  }
0x11: {  	[smem:$0x3FB5] =	sst s9;
	s0 =	simm.s32 @!p0 $0x0  }
0x12: {  	s1 =	sld [smem:$0x3F9B];
	s0 =	simm.s32 @p0 $0x1  }
0x13: {  	[smem:$0x3FB6] =	sst s0;
	s0 =	simm.s32 @!p1 $0x0  }
0x14: {  	s2 =	sld [smem:$0x3F9A];
	s0 =	simm.s32 @p1 $0x1  }
0x15: {  	[smem:$0x3FB7] =	sst s0;
	s0 =	simm.s32 @!p2 $0x0  }
0x16: {  	s3 =	sld [smem:$0x3FDB];
	s0 =	simm.s32 @p2 $0x1  }
0x17: {  	s4 =	simm.s32 $0x1BF5;
	[smem:$0x3FB9] =	sst s0  }
0x18: {  	s0 =	sld [smem:$0x3F9C];
	_ =	swait.ge [sflag:s4], $0x0  }
0x19: {  	s7 =	sld [smem:$0x3F9D]  }
0x1a: {  	s8 =	sadd.s32 $0xFFFFE003, lr  }
0x1b: {  	s9 =	sadd.s32 $0xFFFFFEF7, lr;
	s5 =	simm.s32 $0xFFFFFFFF;
	p2 =	slt.u32 s8, $0xFFFFF086  }
0x1c: {  	p1 =	slt.u32 s9, $0xF7A;
	s5 =	simm.s32 @!p2 $0x0  }
0x1d: {  	s5 =	simm.s32 @p1 $0x1;
	p0 =	seq.s32 s7, s2  }
0x1e: {  	s7 =	smul.u32 @!p0 $0xF7A, s2;
	p2 =	seq.s32 @!p0 s5, $0x0  }
0x1f: {  	s9 =	smul.u32 $0xF7A, s1;
	s8 =	simm.s32 @!p0 $0x1BF5;
	p2 =	por !p2, p0  }
0x20: {  	[sflag:s8] =	ssyncset.s32 @!p0 $0xFFFFF086;
	s6 =	sadd.s32 @!p0 s3, s7;
	s7 =	simm.s32 @!p0 $0x108  }
0x21: {  	s3 =	sadd.s32 s3, s9;
	s6 =	sadd.s32 @!p0 $0x88, s6;
	s7 =	simm.s32 @p2 $0x1082  }
0x22: {  	[simem:s7], [sflag:s8] =	dma.local @!p0 [hbm:s6], $0xF7A  }
0x23: {  	s9 =	sor.u32 $0xD0000000, s2;
	s6 =	simm.s32 $0x108;
	_ =	swait.ge @!p0 [sflag:s8], $0x0  }
0x24: {  	s3 =	sadd.s32 $0x88, s3;
	s6 =	simm.s32 @!p1 $0x1082;
	[sflag:s4] =	ssyncset.s32 $0xFFFFF086  }
0x25: {  	[simem:s6], [sflag:s4] =	dma.local [hbm:s3], $0xF7A  }
0x26: {  	[smem:$0x3F9D] =	sst s1;
	(tag) =	ssettag s2;
	_ =	strace s9  }
0x27: {  	s1 =	sld [smem:$0x3FAD]  }
0x28: {  	s2 =	sld [smem:$0x3FAE]  }
0x29: {  	s4 =	sld [smem:$0x3FB0]  }
0x2a: {  	p0 =	seq.s32 s5, $0x0;
	s5 =	sld [smem:$0x3FB1]  }
0x2b: {  	s6 =	sld [smem:$0x3FB2]  }
0x2c: {  	s7 =	sld [smem:$0x3FB3]  }
0x2d: {  	s3 =	simm.s32 $0x108;
	s8 =	sld [smem:$0x3FB4]  }
0x2e: {  	s3 =	simm.s32 @!p0 $0x1082;
	s9 =	sld [smem:$0x3FB5]  }
0x2f: {  	lr =	sadd.s32 s0, s3;
	s0 =	sld [smem:$0x3FAC]  }
0x30: {  	s3 =	sld [smem:$0x3FAF]  }
0x31: {  	[smem:$0x3FB8] =	sst s10  }
0x32: {  	s10 =	sld [smem:$0x3FB6];
	_ =	sdelay $0x3  }
0x33: {  	p0 =	seq.s32 s10, $0x1;
	s10 =	sld [smem:$0x3FB8];
	_ =	sdelay $0x3  }
0x34: {  	[smem:$0x3FB8] =	sst s10  }
0x35: {  	s10 =	sld [smem:$0x3FB7];
	_ =	sdelay $0x3  }
0x36: {  	p1 =	seq.s32 s10, $0x1;
	s10 =	sld [smem:$0x3FB8];
	_ =	sdelay $0x3  }
0x37: {  	[smem:$0x3FB8] =	sst s10  }
0x38: {  	s10 =	sld [smem:$0x3FB9]  }
0x39: {  	_ = 	snop;
	(pc) =	sbr.ind lr, $3  }
0x3a: {  	_ = 	snop  }
0x3b: {  	_ = 	snop  }
0x3c: {  	p2 =	seq.s32 s10, $0x1;
	s10 =	sld [smem:$0x3FB8]  }
0x3d: {  	_ =	shalt  }
0x3e: {  	_ =	shalt  }
0x3f: {  	_ =	shalt  }
0x40: {  	_ =	shalt  }
0x41: {  	_ =	shalt  }
0x42: {  	_ =	shalt  }
0x43: {  	_ =	shalt  }
0x44: {  	_ =	shalt  }
0x45: {  	_ =	shalt  }
0x46: {  	_ =	shalt  }
0x47: {  	_ =	shalt  }
0x48: {  	_ =	shalt  }
0x49: {  	_ =	shalt  }
0x4a: {  	_ =	shalt  }
0x4b: {  	_ =	shalt  }
0x4c: {  	_ =	shalt  }
0x4d: {  	_ =	shalt  }
0x4e: {  	_ =	shalt  }
0x4f: {  	_ =	shalt  }
0x50: {  	_ =	shalt  }
0x51: {  	_ =	shalt  }
0x52: {  	_ =	shalt  }
0x53: {  	_ =	shalt  }
0x54: {  	_ =	shalt  }
0x55: {  	_ =	shalt  }
0x56: {  	_ =	shalt  }
0x57: {  	_ =	shalt  }
0x58: {  	_ =	shalt  }
0x59: {  	_ =	shalt  }
0x5a: {  	_ =	shalt  }
0x5b: {  	_ =	shalt  }
0x5c: {  	_ =	shalt  }
0x5d: {  	_ =	shalt  }
0x5e: {  	_ =	shalt  }
0x5f: {  	_ =	shalt  }
0x60: {  	_ =	shalt  }
0x61: {  	_ =	shalt  }
0x62: {  	_ =	shalt  }
0x63: {  	_ =	shalt  }
0x64: {  	_ =	shalt  }
0x65: {  	_ =	shalt  }
0x66: {  	_ =	shalt  }
0x67: {  	_ =	shalt  }
0x68: {  	_ =	shalt  }
0x69: {  	_ =	shalt  }
0x6a: {  	_ =	shalt  }
0x6b: {  	_ =	shalt  }
0x6c: {  	_ =	shalt  }
0x6d: {  	_ =	shalt  }
0x6e: {  	_ =	shalt  }
0x6f: {  	_ =	shalt  }
0x70: {  	_ =	shalt  }
0x71: {  	_ =	shalt  }
0x72: {  	_ =	shalt  }
0x73: {  	_ =	shalt  }
0x74: {  	_ =	shalt  }
0x75: {  	_ =	shalt  }
0x76: {  	_ =	shalt  }
0x77: {  	_ =	shalt  }
0x78: {  	_ =	shalt  }
0x79: {  	_ =	shalt  }
0x7a: {  	_ =	shalt  }
0x7b: {  	_ =	shalt  }
0x7c: {  	_ =	shalt  }
0x7d: {  	_ =	shalt  }
0x7e: {  	_ =	shalt  }
0x7f: {  	_ =	shalt  }
0x80: {  	_ =	shalt  }
0x81: {  	_ =	shalt  }
0x82: {  	_ =	shalt  }
0x83: {  	_ =	shalt  }
0x84: {  	_ =	shalt  }
0x85: {  	_ =	shalt  }
0x86: {  	_ =	shalt  }
0x87: {  	_ =	shalt  }
.Lfunc_end0:
.L_simem_size_0:
called_computation_lowered:
.L_overlay_start_0:
0x88: {  	s2 =	sld [smem:$0x3FD9]  }
0x89: {  	s3 =	sld [smem:$0x3FFE];
	_ =	sdelay $0x1  }
0x8a: {  	s1 =	srdreg.scid  }
0x8b: {  	s0 =	sand.u32 $0x1, s1  }
0x8c: {  	s17 =	sshll.u32 s0, $0xA;
	s2 =	sadd.s32 s3, s2  }
0x8d: {  	s2 =	sadd.s32 s2, s17  }
0x8e: {  	[smem:$0x3FC4] =	sst s2  }
0x8f: {  	_ = 	snop  }
0x90: {  	s2 =	sld [smem:$0x3FD0];
	(tm) =	ssettm $0x1  }
0x91: {  	s18 =	sld [smem:$0x3FFB];
	_ =	sdelay $0x3  }
0x92: {  	_ =	strace s18  }
0x93: {  	s3 =	sld [smem:$0x3FFC];
	_ =	sdelay $0x3  }
0x94: {  	_ =	strace s3  }
0x95: {  	s3 =	sld [smem:$0x3FFD];
	_ =	sdelay $0x3  }
0x96: {  	_ =	strace s3  }
0x97: {  	_ =	strace $0x8FFFFFFF  }
0x98: {  	s19 =	sld [smem:$0x3FDB];
	_ =	sdelay $0x1  }
0x99: {  	s4 =	simm.s32 $_scs_section_size  }
0x9a: {  	s5 =	simm.s32 $_size__tile_overlayer_lowered;
	s6 =	simm.s32 $_tile_overlayer_lowered  }
0x9b: {  	s22 =	simm.s32 $0x1BFF;
	s21 =	sshll.u32 s6, $0x1;
	s3 =	sadd.s32 s4, s19  }
0x9c: {  	s7 =	simm.s32 $0x0;
	s20 =	sshll.u32 s5, $0x1;
	s5 =	sadd.s32 s21, s3  }
0x9d: {  	[timem:s7], [sflag:s22] =	dma.local [hbm:s5], s20  }
0x9e: {  	_ =	swait.ge [sflag:s22], s20  }
0x9f: {  	s4 =	ssub.s32 $0x0, s20;
	[sflag:s22] =	ssyncset.done $0x0  }
0xa0: {  	[sflag:s22] =	ssyncadd.s32 s4;
	_ =	sdelay $0x1  }
0xa1: {  	s23 =	simm.s32 $0x1B8B  }
0xa2: {  	_ =	swait.ge [sflag:s23], $0x1  }
0xa3: {  	[sflag:s23] =	ssyncset.done $0x0  }
0xa4: {  	s25 =	simm.s32 $0x1B8E;
	s24 =	sld [smem:$0x3FFE];
	[sflag:s23] =	ssyncadd.s32 $0xFFFFFFFF  }
0xa5: {  	s26 =	simm.s32 $execute0_lowered;
	[smem:$0x3FD2] =	sst s25  }
0xa6: {  	s5 =	sshll.u32 s26, $0x1;
	_ =	strace $0x80000046;
	[dreg:$0x1] =	wrdreg $0xFFFFFFFF  }
0xa7: {  	s28 =	simm.s32 $_size_execute0_lowered;
	s3 =	sadd.s32 s3, s5;
	[dreg:$0x0] =	wrdreg $0x0  }
0xa8: {  	s5 =	sshll.u32 s28, $0x1;
	[dreg:$0x2] =	wrdreg s3  }
0xa9: {  	[dreg:$0x3] =	wrdreg s5  }
0xaa: {  	[dreg:$0x4] =	wrdreg $0xC0  }
0xab: {  	_ =	task [dreg:s7], $0x5FFFF  }
0xac: {  	[dreg:$0x1] =	wrdreg $0xFFFFFFFF  }
0xad: {  	[dreg:$0x0] =	wrdreg $0x60  }
0xae: {  	[dreg:$0x2] =	wrdreg s24  }
0xaf: {  	[dreg:$0x3] =	wrdreg s2  }
0xb0: {  	[dreg:$0x4] =	wrdreg $0x9  }
0xb1: {  	_ =	task.clear_ibuf [dreg:s7], $0x5FFFF;
	_ =	strace $0x90000046  }
0xb2: {  	s29 =	simm.s32 $0x9;
	_ =	strace $0x80000048  }
0xb3: {  	_ =	swait.ge [sflag:s29], $0x1  }
0xb4: {  	[sflag:s29] =	ssyncadd.s32 $0xFFFFFFFF  }
0xb5: {  	_ =	strace $0x90000048  }
0xb6: {  	_ =	sfence  }
0xb7: {  	s30 =	sld [smem:$0x0];
	_ =	sdelay $0x2  }
0xb8: {  	s31 =	sshll.u32 s1, $0xD;
	s1 =	sshrl.u32 s1, $0x2  }
0xb9: {  	s3 =	sand.u32 $0x4000, s31;
	s1 =	sadd.s32 s1, s30  }
0xba: {  	s0 =	sor.u32 s3, s0;
	s1 =	sshll.u32 s1, $0x11  }
0xbb: {  	s0 =	sor.u32 s1, s0  }
0xbc: {  	s0 =	sadd.s32 $0x8F2B, s0  }
0xbd: {  	[sflag:s0] =	ssyncadd.remote.s32 $0x1  }
0xbe: {  	_ =	sfence.sel $0xFFFF  }
0xbf: {  	[dreg:$0x0] =	wrdreg $0xFFFFFFFF;
	(pc) =	sbr.abs _section_cstart, $3  }
0xc0: {  	[dreg:$0x1] =	wrdreg $0xFFFFFFFF  }
0xc1: {  	_ =	task.clear_ibuf [dreg:s7], $0x2FFFF;
	_ =	strace $0x9FFFFFFF  }
0xc2: {  	(tm) =	ssettm $0x7FFFFFFF  }
0xc3: {  	_ =	shalt  }
tec
execute0_lowered:
.L_overlay_start_1:
0x0: {  	(tag) =	ssettag $0x1  }
0x1: {  	s8 =	rddreg [dreg:$0x0]  }
0x2: {  	s1 =	rddreg [dreg:$0x1]  }
0x3: {  	s0 =	rddreg [dreg:$0x2]  }
0x4: {  	s3 =	simm.s32 $0x0;
	s5 =	srdreg.scid;
	s2 =	stileid.u32  }
0x5: {  	s13 =	simm.s32 $0x80;
	s14 =	simm.s32 $0x280;
	s15 =	simm.s32 $0x480  }
0x6: {  	s16 =	simm.s32 $0x1;
	s17 =	simm.s32 $0x200;
	s18 =	simm.s32 $0x680  }
0x7: {  	s19 =	simm.s32 $0x0;
	[smem:$0x7FF] =	sst s3;
	s4 =	sadd.s32 $0x14600, s8  }
0x8: {  	s6 =	sand.u32 $0x1, s5;
	s7 =	sshll.u32 s2, $0x1;
	s5 =	sadd.s32 $0xC00, s8  }
.Ltmp0:
0x9: {  	_ =	strace $0x80000047;
	s9 =	sor.u32 s6, s7;
	(pc) =	sbr.rel .LBB2_1-.Ltmp0, $4  }
0xa: {  	s10 =	ssub.s32 $0x2, s6;
	s6 =	sadd.s32 $0x1B800, s8;
	s7 =	sadd.s32 $0x2F200, s8  }
0xb: {  	s11 =	sshll.u32 s9, $0x4;
	s12 =	sshrl.u32 s10, $0x1;
	s9 =	smul.u32 $0x2710, s9  }
0xc: {  	v0 =	vlaneseq.u32;
	v1 =	vimm.f32 $0.0e+00;
	s8 =	sadd.s32 s11, s8;
	s10 =	ssub.s32 s10, s12;
	s11 =	simm.s32 $0x2  }
0xd: {  	v2 =	vor.u32 $0x10, v0;
	v3 =	vor.u32 $0x20, v0;
	v4 =	vor.u32 $0x30, v0;
	s12 =	simm.s32 $0x10680;
	s8 =	sadd.s32 $0x42C00, s8;
	s10 =	smax.u32 s10, $0x1  }
.LBB2_17:
0xe: {  	s19 =	sadd.s32 $0x1, s19  }
0xf: {  	p0 =	sne.s32 s19, s10  }
.Ltmp1:
0x10: {  	_ = 	snop;
	(pc) =	sbr.rel @!p0 .LBB2_18-.Ltmp1, $1  }
0x11: {  	_ =	sdelay $0x3  }
.LBB2_1:
0x12: {  	[tilespmem:s3], [sflag:$0x2] =	stream.linear.gather [hbm4b:s8+s3], $0x80, $0x38;
	[tilespmem:$0x1CE80] =	vst v63  }
0x13: {  	_ =	swait.ge [sflag:s11], $0x80  }
0x14: {  	[sflag:s11] =	ssyncset.done $0x0  }
0x15: {  	[sflag:s11] =	ssyncadd.s32 $0xFFFFFF80  }
0x16: {  	v5 =	vld [tilespmem:$0x0]  }
0x17: {  	v6 =	vld [tilespmem:$0x10]  }
.Ltmp2:
0x18: {  	_ = 	snop;
	(pc) =	sbr.rel .LBB2_2-.Ltmp2, $2  }
0x19: {  	_ =	sdelay $0x2  }
0x1a: {  	s20 =	simm.s32 $0x0;
	v5 =	vxor.u32 $0x80000000, v5;
	v6 =	vxor.u32 $0x80000000, v6  }
.LBB2_16:
0x1b: {  	s21 =	sshll.u32 s21, $0x4;
	p0 =	sne.s32 s20, $0x19  }
.Ltmp3:
0x1c: {  	s21 =	sadd.s32 s1, s21;
	(pc) =	sbr.rel @!p0 .LBB2_17-.Ltmp3, $4  }
0x1d: {  	[hbm4b:s21+s3] =	stream.linear.scatter [tilespmem:s12], [sflag:$0x2], $0xC800, $0x38;
	[tilespmem:$0x1CE80] =	vst v63  }
0x1e: {  	_ =	swait.ge [sflag:s11], $0xC800  }
0x1f: {  	[sflag:s11] =	ssyncset.done $0x0  }
0x20: {  	[sflag:s11] =	ssyncadd.s32 $0xFFFF3800  }
.LBB2_2:
0x21: {  	s22 =	simm.s32 $0x0  }
0x22: {  	v9 =	vor.u32 s22, v0;
	_ =	sdelay $0x2  }
0x23: {  	v8 =	vor.u32 s22, v2  }
0x24: {  	s21 =	smov.u32 s20;
	s20 =	simm.s32 $0x1;
	v7 =	vor.u32 s22, v3  }
.LBB2_3:
0x25: {  	[tilespmem:v9+s12+$0x0] =	vst.idx.msk $0xffff, v1;
	v10 =	vor.u32 s22, v4;
	s22 =	sshll.u32 s20, $0x7;
	p0 =	sne.s32 s20, $0x18F  }
.Ltmp4:
0x26: {  	v9 =	vor.u32 s22, v0;
	(pc) =	sbr.rel @p0 .LBB2_3-.Ltmp4, $4  }
0x27: {  	_ = 	snop  }
0x28: {  	[tilespmem:v8+s12+$0x0] =	vst.idx.msk $0xffff, v1  }
0x29: {  	v8 =	vor.u32 s22, v2;
	[tilespmem:v7+s12+$0x0] =	vst.idx.msk $0xffff, v1  }
0x2a: {  	s20 =	sadd.s32 $0x1, s20;
	v7 =	vor.u32 s22, v3;
	[tilespmem:v10+s12+$0x0] =	vst.idx.msk $0xffff, v1  }
0x2b: {  	v10 =	vmov s21  }
0x2c: {  	vm0 =	veq.s32 v10, v0  }
0x2d: {  	v11 =	vnsel vm0, $0x7FFFFFFF, v5;
	vm0 =	veq.s32 v10, v2  }
0x2e: {  	(xrf0) =	vmax.scan.msk.u32 $0xffff, v11;
	v10 =	vnsel vm0, $0x7FFFFFFF, v6  }
0x2f: {  	(xrf0) =	vmax.scan.msk.u32 $0xffff, v10;
	_ =	sdelay $0x2  }
0x30: {  	s20 =	sadd.s32 $0x1, s21  }
0x31: {  	v10 =	vmov s20  }
0x32: {  	vm0 =	veq.s32 v10, v0;
	v11, _, _ =	vpop (xrf0)  }
0x33: {  	v12 =	vnsel vm0, $0x7FFFFFFF, v5;
	(v2sf) =	vpush v11, $0xF;
	v11, _, _ =	vpop (xrf0)  }
0x34: {  	vm0 =	veq.s32 v10, v2;
	(xrf0) =	vmax.scan.msk.u32 $0xffff, v12;
	(v2sf) =	vpush v11, $0xF  }
0x35: {  	v10 =	vnsel vm0, $0x7FFFFFFF, v6  }
0x36: {  	(xrf0) =	vmax.scan.msk.u32 $0xffff, v10;
	_ =	sdelay $0x3  }
0x37: {  	v10, _, _ =	vpop (xrf0)  }
0x38: {  	(v2sf) =	vpush v10, $0xF  }
0x39: {  	v10, _, _ =	vpop (xrf0)  }
0x3a: {  	(v2sf) =	vpush v10, $0xF;
	_ =	sdelay $0x4  }
0x3b: {  	s23 =	spop (v2sf)  }
0x3c: {  	v10 =	vor.u32 s22, v4;
	s24 =	spop (v2sf)  }
0x3d: {  	s23 =	sxor.u32 $0x80000000, s23;
	s22 =	sxor.u32 $0x80000000, s24  }
0x3e: {  	[tilespmem:v9+s12+$0x0] =	vst.idx.msk $0xffff, v1;
	p0 =	sgt.s32 s23, s22  }
0x3f: {  	[tilespmem:v8+s12+$0x0] =	vst.idx.msk $0xffff, v1;
	s22 =	smov.u32 @p0 s23  }
0x40: {  	[tilespmem:v7+s12+$0x0] =	vst.idx.msk $0xffff, v1;
	s23 =	sshrl.u32 s22, $0x3  }
0x41: {  	s25 =	simm.s32 $0x0;
	[tilespmem:v10+s12+$0x0] =	vst.idx.msk $0xffff, v1;
	s26 =	sadd.s32 s5, s23  }
0x42: {  	[tilespmem:s13], [sflag:$0x1] =	stream.linear.gather [hbm4b:s26+s25], $0x200, $0x38;
	[tilespmem:$0x1CE80] =	vst v63  }
0x43: {  	s30 =	spop (v2sf);
	s26 =	sadd.s32 s6, s23  }
0x44: {  	[tilespmem:s14], [sflag:$0x1] =	stream.linear.gather [hbm4b:s26+s25], $0x200, $0x38;
	[tilespmem:$0x1CE80] =	vst v63  }
0x45: {  	s31 =	spop (v2sf);
	s23 =	sadd.s32 s7, s23  }
0x46: {  	[tilespmem:s15], [sflag:$0x1] =	stream.linear.gather [hbm4b:s23+s25], $0x200, $0x38;
	[tilespmem:$0x1CE80] =	vst v63  }
0x47: {  	_ =	swait.ge [sflag:s16], $0x200  }
0x48: {  	[sflag:s16] =	ssyncset.done $0x0  }
0x49: {  	[sflag:s16] =	ssyncadd.s32 $0xFFFFFE00  }
0x4a: {  	_ =	swait.ge [sflag:s16], $0x200  }
0x4b: {  	[sflag:s16] =	ssyncset.done $0x0  }
0x4c: {  	[sflag:s16] =	ssyncadd.s32 $0xFFFFFE00  }
0x4d: {  	_ =	swait.ge [sflag:s16], $0x200  }
0x4e: {  	[sflag:s16] =	ssyncset.done $0x0  }
0x4f: {  	v7 =	vmov s25;
	[sflag:s16] =	ssyncadd.s32 $0xFFFFFE00  }
0x50: {  	[tilespmem:s18], [sflag:$0x1] =	stream.indirect.gather [hbm4b:s4+s17], $0x80, s13, s17, $0xb8;
	[tilespmem:$0x1CE80] =	vst v63  }
0x51: {  	v16 =	vshll.u32 v7, $0x7;
	s28 =	sxor.u32 $0x80000000, s30;
	s24 =	sxor.u32 $0x80000000, s31;
	_ =	swait.ge [sflag:s16], $0x10000  }
0x52: {  	v8 =	vor.u32 v0, v16;
	p0 =	sgt.s32 s28, s24;
	s26 =	simm.s32 $0x3;
	[sflag:s16] =	ssyncset.done $0x0  }
0x53: {  	s24 =	smov.u32 @p0 s28;
	v13 =	vmov s26;
	s28 =	simm.s32 $0x2;
	[sflag:s16] =	ssyncadd.s32 $0xFFFF0000  }
0x54: {  	v15 =	vmov s28;
	v12 =	vld.idx.msk [tilespmem:v7+s15+$0x0], $0xffff  }
0x55: {  	s30 =	smul.u32 $0x190, s21;
	s23 =	sand.u32 $0xFFFFFFF8, s22;
	v11 =	vld.idx.msk [tilespmem:v7+s14+$0x0], $0xffff  }
0x56: {  	v17 =	vor.u32 v2, v16;
	v10 =	vmov s23  }
0x57: {  	v9 =	vmov s22;
	s21 =	sadd.s32 s9, s30;
	v7 =	vmov s24;
	v14 =	vld.idx.msk [tilespmem:v8+s18+$0x0], $0xffff;
	v8 =	vadd.s32 s25, v10  }
0x58: {  	s31 =	simm.s32 $0x4;
	v18 =	vld.idx.msk [tilespmem:v13+s15+$0x0], $0xffff;
	vm0 =	vge.s32 v8, v9;
	vm1 =	vlt.s32 v8, v7;
	v8 =	vmov s21  }
0x59: {  	s29 =	simm.s32 $0x1;
	v26 =	vmov s31;
	v22 =	vld.idx.msk [tilespmem:v15+s15+$0x0], $0xffff;
	vm0 =	vmand vm0, vm1;
	v12 =	vsub.s32 v12, v8  }
0x5a: {  	v19 =	vnsel vm0, $0x0, v11;
	v11 =	vshll.u32 v12, $0x7;
	v12 =	vmov s29  }
0x5b: {  	v20 =	vshll.u32 v13, $0x7;
	v25 =	vshll.u32 v15, $0x7;
	v23 =	vadd.s32 s26, v10  }
0x5c: {  	v31 =	vadd.s32 s28, v10;
	v21 =	vnsel vm0, $0x0, v11;
	v11 =	vld.idx.msk [tilespmem:v13+s14+$0x0], $0xffff;
	v13 =	vor.u32 v0, v20  }
0x5d: {  	v27 =	vor.u32 v0, v25;
	vm2 =	vlt.s32 v31, v7;
	vm1 =	vlt.s32 v23, v7  }
0x5e: {  	v32 =	vld.idx.msk [tilespmem:v15+s14+$0x0], $0xffff;
	v18 =	vsub.s32 v18, v8;
	v15 =	vsub.s32 v22, v8;
	v28 =	vshll.u32 v12, $0x7  }
0x5f: {  	v14 =	vmul.f32 v19, v14;
	v18 =	vshll.u32 v18, $0x7;
	v30 =	vor.u32 v0, v28;
	v29 =	vld.idx.msk [tilespmem:v12+s15+$0x0], $0xffff  }
0x60: {  	v15 =	vshll.u32 v15, $0x7;
	vm0 =	vge.s32 v23, v9;
	v24 =	vor.u32 v0, v21  }
0x61: {  	v23 =	vor.u32 v2, v20;
	vm0 =	vmand vm0, vm1;
	vm1 =	vge.s32 v31, v9;
	v13 =	vld.idx.msk [tilespmem:v13+s18+$0x0], $0xffff  }
0x62: {  	v22 =	vld.idx.msk [tilespmem:v27+s18+$0x0], $0xffff;
	vm1 =	vmand vm1, vm2;
	v27 =	vnsel vm0, $0x0, v18;
	v18 =	vadd.s32 s29, v10  }
0x63: {  	v53 =	vnsel vm1, $0x0, v15;
	v33 =	vor.u32 v0, v27;
	vm2 =	vlt.s32 v18, v7;
	v12 =	vld.idx.msk [tilespmem:v12+s14+$0x0], $0xffff  }
0x64: {  	v11 =	vnsel vm0, $0x0, v11;
	vm0 =	vge.s32 v18, v9;
	v18 =	vld.idx.msk [tilespmem:v30+s18+$0x0], $0xffff;
	v15 =	vsub.s32 v29, v8  }
0x65: {  	[tilespmem:v24+s12+$0x0] =	vst.idx.add.f32.msk $0xffff, v14;
	vm0 =	vmand vm0, vm2;
	v24 =	vor.u32 v0, v53;
	v14 =	vshll.u32 v15, $0x7  }
0x66: {  	v54 =	vor.u32 v2, v25;
	v17 =	vld.idx.msk [tilespmem:v17+s18+$0x0], $0xffff;
	v13 =	vmul.f32 v11, v13;
	v15 =	vnsel vm0, $0x0, v14  }
0x67: {  	v55 =	vld.idx.msk [tilespmem:v26+s14+$0x0], $0xffff;
	v14 =	vnsel vm1, $0x0, v32;
	v34 =	vor.u32 v0, v15  }
0x68: {  	v57 =	vor.u32 v2, v21;
	v22 =	vmul.f32 v14, v22;
	[tilespmem:v33+s12+$0x0] =	vst.idx.add.f32.msk $0xffff, v13  }
0x69: {  	v56 =	vor.u32 v2, v28;
	v13 =	vnsel vm0, $0x0, v12;
	v12 =	vld.idx.msk [tilespmem:v23+s18+$0x0], $0xffff  }
0x6a: {  	v18 =	vmul.f32 v13, v18;
	[tilespmem:v24+s12+$0x0] =	vst.idx.add.f32.msk $0xffff, v22  }
0x6b: {  	v17 =	vmul.f32 v17, v19;
	v23 =	vor.u32 v3, v16;
	v22 =	vld.idx.msk [tilespmem:v54+s18+$0x0], $0xffff  }
0x6c: {  	[tilespmem:v34+s12+$0x0] =	vst.idx.add.f32.msk $0xffff, v18;
	v18 =	vor.u32 v2, v27  }
0x6d: {  	[tilespmem:v57+s12+$0x0] =	vst.idx.add.f32.msk $0xffff, v17;
	v17 =	vor.u32 v2, v53  }
0x6e: {  	v58 =	vor.u32 v3, v20;
	v24 =	vld.idx.msk [tilespmem:v56+s18+$0x0], $0xffff  }
0x6f: {  	v59 =	vor.u32 v3, v25;
	v60 =	vld.idx.msk [tilespmem:v26+s15+$0x0], $0xffff;
	v12 =	vmul.f32 v12, v11  }
0x70: {  	v61 =	vor.u32 v2, v15;
	v23 =	vld.idx.msk [tilespmem:v23+s18+$0x0], $0xffff;
	v22 =	vmul.f32 v22, v14  }
0x71: {  	v35 =	vor.u32 v3, v28;
	[tilespmem:v18+s12+$0x0] =	vst.idx.add.f32.msk $0xffff, v12  }
0x72: {  	v18 =	vor.u32 v3, v21;
	[tilespmem:v17+s12+$0x0] =	vst.idx.add.f32.msk $0xffff, v22  }
0x73: {  	v16 =	vor.u32 v4, v16;
	v12 =	vshll.u32 v26, $0x7;
	v29 =	vld.idx.msk [tilespmem:v58+s18+$0x0], $0xffff;
	v24 =	vmul.f32 v24, v13  }
0x74: {  	v17 =	vor.u32 v0, v12;
	v22 =	vld.idx.msk [tilespmem:v59+s18+$0x0], $0xffff  }
0x75: {  	v23 =	vmul.f32 v23, v19;
	[tilespmem:v61+s12+$0x0] =	vst.idx.add.f32.msk $0xffff, v24;
	v24 =	vor.u32 v3, v27  }
0x76: {  	v20 =	vor.u32 v4, v20;
	v26 =	vld.idx.msk [tilespmem:v35+s18+$0x0], $0xffff  }
0x77: {  	[tilespmem:v18+s12+$0x0] =	vst.idx.add.f32.msk $0xffff, v23;
	v18 =	vor.u32 v3, v53  }
0x78: {  	v23 =	vor.u32 v4, v25;
	v16 =	vld.idx.msk [tilespmem:v16+s18+$0x0], $0xffff;
	v29 =	vmul.f32 v29, v11  }
0x79: {  	v62 =	vor.u32 v3, v15;
	v25 =	vld.idx.msk [tilespmem:v17+s18+$0x0], $0xffff  }
0x7a: {  	v28 =	vor.u32 v4, v28;
	v22 =	vmul.f32 v22, v14;
	[tilespmem:v24+s12+$0x0] =	vst.idx.add.f32.msk $0xffff, v29  }
0x7b: {  	v63 =	vor.u32 v4, v21;
	s29 =	simm.s32 $0x7;
	v17 =	vld.idx.msk [tilespmem:v20+s18+$0x0], $0xffff  }
0x7c: {  	v20 =	vadd.s32 s31, v10;
	v21 =	vmul.f32 v26, v13;
	v26 =	vmov s29;
	[tilespmem:v18+s12+$0x0] =	vst.idx.add.f32.msk $0xffff, v22  }
0x7d: {  	s28 =	simm.s32 $0x6;
	vm0 =	vge.s32 v20, v9;
	vm1 =	vlt.s32 v20, v7;
	v18 =	vld.idx.msk [tilespmem:v23+s18+$0x0], $0xffff  }
0x7e: {  	v24 =	vmov s28;
	v20 =	vor.u32 v2, v12;
	v22 =	vmul.f32 v16, v19;
	[tilespmem:v62+s12+$0x0] =	vst.idx.add.f32.msk $0xffff, v21  }
0x7f: {  	vm0 =	vmand vm0, vm1;
	v23 =	vsub.s32 v60, v8;
	v21 =	vor.u32 v4, v27;
	v19 =	vld.idx.msk [tilespmem:v28+s18+$0x0], $0xffff  }
0x80: {  	s26 =	simm.s32 $0x5;
	s25 =	simm.s32 $0x8;
	v16 =	vnsel vm0, $0x0, v55;
	v23 =	vshll.u32 v23, $0x7;
	[tilespmem:v63+s12+$0x0] =	vst.idx.add.f32.msk $0xffff, v22;
	v22 =	vor.u32 v4, v53  }
.LBB2_5:
0x81: {  	p0 =	slt.u32 s25, $0x1FC;
	v25 =	vmul.f32 v16, v25;
	v23 =	vnsel vm0, $0x0, v23;
	v27 =	vmov s26;
	v28 =	vld.idx.msk [tilespmem:v26+s15+$0x0], $0xffff  }
0x82: {  	v15 =	vor.u32 v4, v15;
	v11 =	vmul.f32 v17, v11;
	v29 =	vld.idx.msk [tilespmem:v26+s14+$0x0], $0xffff;
	v26 =	vshll.u32 v26, $0x7  }
0x83: {  	v30 =	vadd.s32 s29, v10;
	v14 =	vmul.f32 v18, v14;
	v17 =	vld.idx.msk [tilespmem:v24+s15+$0x0], $0xffff;
	v31 =	vor.u32 v0, v26  }
0x84: {  	v32 =	vshll.u32 v24, $0x7;
	v18 =	vor.u32 v0, v23;
	vm0 =	vge.s32 v30, v9;
	[tilespmem:v21+s12+$0x0] =	vst.idx.add.f32.msk $0xffff, v11  }
0x85: {  	v33 =	vor.u32 v0, v32;
	v21 =	vmov s25;
	v11 =	vmul.f32 v19, v13;
	[tilespmem:v22+s12+$0x0] =	vst.idx.add.f32.msk $0xffff, v14  }
0x86: {  	vm1 =	vlt.s32 v30, v7;
	v19 =	vshll.u32 v27, $0x7;
	v22 =	vor.u32 v2, v26;
	v13 =	vld.idx.msk [tilespmem:v27+s15+$0x0], $0xffff  }
0x87: {  	vm0 =	vmand vm0, vm1;
	v14 =	vor.u32 v0, v19;
	v28 =	vsub.s32 v28, v8;
	[tilespmem:v15+s12+$0x0] =	vst.idx.add.f32.msk $0xffff, v11  }
0x88: {  	v15 =	vadd.s32 s28, v10;
	v11 =	vnsel vm0, $0x0, v29;
	v28 =	vshll.u32 v28, $0x7;
	v29 =	vld.idx.msk [tilespmem:v31+s18+$0x0], $0xffff  }
0x89: {  	vm1 =	vge.s32 v15, v9;
	vm2 =	vlt.s32 v15, v7;
	v15 =	vsub.s32 v17, v8;
	v24 =	vld.idx.msk [tilespmem:v24+s14+$0x0], $0xffff  }
0x8a: {  	v28 =	vnsel vm0, $0x0, v28;
	vm1 =	vmand vm1, vm2;
	v15 =	vshll.u32 v15, $0x7;
	v17 =	vld.idx.msk [tilespmem:v33+s18+$0x0], $0xffff  }
0x8b: {  	v30 =	vadd.s32 s26, v10;
	v31 =	vnsel vm1, $0x0, v15;
	v33 =	vor.u32 v0, v28;
	v27 =	vld.idx.msk [tilespmem:v27+s14+$0x0], $0xffff  }
0x8c: {  	vm0 =	vge.s32 v30, v9;
	vm2 =	vlt.s32 v30, v7;
	v13 =	vsub.s32 v13, v8;
	v30 =	vld.idx.msk [tilespmem:v14+s18+$0x0], $0xffff  }
0x8d: {  	vm0 =	vmand vm0, vm2;
	v13 =	vshll.u32 v13, $0x7;
	[tilespmem:v18+s12+$0x0] =	vst.idx.add.f32.msk $0xffff, v25;
	v18 =	vor.u32 v0, v31  }
0x8e: {  	v15 =	vnsel vm0, $0x0, v13;
	v25 =	vor.u32 v2, v32;
	v13 =	vmul.f32 v11, v29;
	v20 =	vld.idx.msk [tilespmem:v20+s18+$0x0], $0xffff  }
0x8f: {  	v34 =	vor.u32 v0, v15;
	v14 =	vnsel vm1, $0x0, v24;
	v29 =	vld.idx.msk [tilespmem:v21+s14+$0x0], $0xffff  }
0x90: {  	v24 =	vor.u32 v2, v19;
	v17 =	vmul.f32 v14, v17;
	[tilespmem:v33+s12+$0x0] =	vst.idx.add.f32.msk $0xffff, v13  }
0x91: {  	v33 =	vor.u32 v2, v23;
	v13 =	vnsel vm0, $0x0, v27;
	v22 =	vld.idx.msk [tilespmem:v22+s18+$0x0], $0xffff  }
0x92: {  	v27 =	vor.u32 v3, v12;
	v30 =	vmul.f32 v13, v30;
	[tilespmem:v18+s12+$0x0] =	vst.idx.add.f32.msk $0xffff, v17  }
0x93: {  	v17 =	vld.idx.msk [tilespmem:v25+s18+$0x0], $0xffff  }
0x94: {  	v18 =	vmul.f32 v20, v16;
	v20 =	vor.u32 v2, v28;
	[tilespmem:v34+s12+$0x0] =	vst.idx.add.f32.msk $0xffff, v30  }
0x95: {  	v25 =	vor.u32 v3, v26;
	v24 =	vld.idx.msk [tilespmem:v24+s18+$0x0], $0xffff  }
0x96: {  	[tilespmem:v33+s12+$0x0] =	vst.idx.add.f32.msk $0xffff, v18;
	v18 =	vor.u32 v2, v31  }
0x97: {  	v30 =	vor.u32 v3, v32;
	v22 =	vmul.f32 v22, v11;
	v27 =	vld.idx.msk [tilespmem:v27+s18+$0x0], $0xffff  }
0x98: {  	v34 =	vor.u32 v2, v15;
	v33 =	vld.idx.msk [tilespmem:v21+s15+$0x0], $0xffff  }
0x99: {  	v35 =	vor.u32 v3, v19;
	v17 =	vmul.f32 v17, v14;
	[tilespmem:v20+s12+$0x0] =	vst.idx.add.f32.msk $0xffff, v22  }
0x9a: {  	v20 =	vor.u32 v3, v23;
	v22 =	vld.idx.msk [tilespmem:v25+s18+$0x0], $0xffff  }
0x9b: {  	v25 =	vor.u32 v4, v12;
	v12 =	vshll.u32 v21, $0x7;
	v21 =	vmul.f32 v24, v13;
	[tilespmem:v18+s12+$0x0] =	vst.idx.add.f32.msk $0xffff, v17  }
0x9c: {  	v17 =	vor.u32 v0, v12;
	v18 =	vld.idx.msk [tilespmem:v30+s18+$0x0], $0xffff  }
0x9d: {  	v24 =	vmul.f32 v27, v16;
	[tilespmem:v34+s12+$0x0] =	vst.idx.add.f32.msk $0xffff, v21;
	v21 =	vor.u32 v3, v28  }
0x9e: {  	v26 =	vor.u32 v4, v26;
	v27 =	vld.idx.msk [tilespmem:v35+s18+$0x0], $0xffff  }
0x9f: {  	[tilespmem:v20+s12+$0x0] =	vst.idx.add.f32.msk $0xffff, v24;
	v20 =	vor.u32 v3, v31  }
0xa0: {  	v24 =	vor.u32 v4, v32;
	v22 =	vmul.f32 v22, v11;
	v30 =	vld.idx.msk [tilespmem:v25+s18+$0x0], $0xffff  }
0xa1: {  	v32 =	vor.u32 v3, v15;
	v25 =	vld.idx.msk [tilespmem:v17+s18+$0x0], $0xffff  }
0xa2: {  	v19 =	vor.u32 v4, v19;
	v18 =	vmul.f32 v18, v14;
	[tilespmem:v21+s12+$0x0] =	vst.idx.add.f32.msk $0xffff, v22  }
0xa3: {  	s29 =	sadd.s32 $0x3, s25;
	v22 =	vor.u32 v4, v23;
	v17 =	vld.idx.msk [tilespmem:v26+s18+$0x0], $0xffff  }
.Ltmp5:
0xa4: {  	v21 =	vadd.s32 s25, v10;
	v26 =	vmov s29;
	v23 =	vmul.f32 v27, v13;
	[tilespmem:v20+s12+$0x0] =	vst.idx.add.f32.msk $0xffff, v18;
	(pc) =	sbr.rel @p0 .LBB2_5-.Ltmp5, $4  }
0xa5: {  	s28 =	sadd.s32 $0x2, s25;
	vm0 =	vge.s32 v21, v9;
	vm1 =	vlt.s32 v21, v7;
	v18 =	vld.idx.msk [tilespmem:v24+s18+$0x0], $0xffff  }
0xa6: {  	v20 =	vor.u32 v2, v12;
	v24 =	vmov s28;
	v27 =	vmul.f32 v30, v16;
	[tilespmem:v32+s12+$0x0] =	vst.idx.add.f32.msk $0xffff, v23  }
0xa7: {  	v21 =	vor.u32 v4, v28;
	vm0 =	vmand vm0, vm1;
	v23 =	vsub.s32 v33, v8;
	v19 =	vld.idx.msk [tilespmem:v19+s18+$0x0], $0xffff  }
0xa8: {  	s26 =	sadd.s32 $0x1, s25;
	s25 =	sadd.s32 $0x4, s25;
	v16 =	vnsel vm0, $0x0, v29;
	v23 =	vshll.u32 v23, $0x7;
	[tilespmem:v22+s12+$0x0] =	vst.idx.add.f32.msk $0xffff, v27;
	v22 =	vor.u32 v4, v31  }
0xa9: {  	_ =	sdelay $0x3  }
0xaa: {  	v27 =	vmov s26;
	v28 =	vld.idx.msk [tilespmem:v26+s15+$0x0], $0xffff;
	v56 =	vshll.u32 v26, $0x7  }
0xab: {  	v25 =	vmul.f32 v16, v25;
	v30 =	vld.idx.msk [tilespmem:v24+s15+$0x0], $0xffff;
	v33 =	vshll.u32 v24, $0x7;
	v32 =	vor.u32 v0, v56  }
0xac: {  	v23 =	vnsel vm0, $0x0, v23;
	v31 =	vadd.s32 s29, v10;
	v35 =	vor.u32 v0, v33  }
0xad: {  	v29 =	vld.idx.msk [tilespmem:v26+s14+$0x0], $0xffff;
	v39 =	vadd.s32 s28, v10;
	v34 =	vor.u32 v0, v23;
	vm12 =	vge.s32 v31, v9  }
0xae: {  	v58 =	vld.idx.msk [tilespmem:v24+s14+$0x0], $0xffff;
	v36 =	vshll.u32 v27, $0x7;
	vm1 =	vlt.s32 v31, v7;
	vm13 =	vge.s32 v39, v9  }
0xaf: {  	vm2 =	vlt.s32 v39, v7;
	v38 =	vor.u32 v0, v36;
	v37 =	vld.idx.msk [tilespmem:v27+s15+$0x0], $0xffff;
	v28 =	vsub.s32 v28, v8  }
0xb0: {  	vm0 =	vmand vm12, vm1;
	v30 =	vsub.s32 v30, v8;
	v28 =	vshll.u32 v28, $0x7;
	v32 =	vld.idx.msk [tilespmem:v32+s18+$0x0], $0xffff  }
0xb1: {  	vm1 =	vmand vm13, vm2;
	v30 =	vshll.u32 v30, $0x7;
	v35 =	vld.idx.msk [tilespmem:v35+s18+$0x0], $0xffff;
	v28 =	vnsel vm0, $0x0, v28  }
0xb2: {  	v10 =	vadd.s32 s26, v10;
	v30 =	vnsel vm1, $0x0, v30;
	v59 =	vor.u32 v0, v28  }
0xb3: {  	v57 =	vor.u32 v2, v56;
	vm14 =	vge.s32 v10, v9;
	v27 =	vld.idx.msk [tilespmem:v27+s14+$0x0], $0xffff;
	v61 =	vor.u32 v0, v30  }
0xb4: {  	vm15 =	vlt.s32 v10, v7;
	v62 =	vor.u32 v2, v33;
	v29 =	vnsel vm0, $0x0, v29;
	[tilespmem:v34+s12+$0x0] =	vst.idx.add.f32.msk $0xffff, v25  }
0xb5: {  	v24 =	vnsel vm1, $0x0, v58;
	v20 =	vld.idx.msk [tilespmem:v20+s18+$0x0], $0xffff;
	v10 =	vsub.s32 v37, v8;
	v32 =	vmul.f32 v29, v32  }
0xb6: {  	v60 =	vld.idx.msk [tilespmem:v38+s18+$0x0], $0xffff;
	vm0 =	vmand vm14, vm15;
	v10 =	vshll.u32 v10, $0x7;
	v35 =	vmul.f32 v24, v35  }
0xb7: {  	v43 =	vor.u32 v2, v23;
	v10 =	vnsel vm0, $0x0, v10;
	[tilespmem:v59+s12+$0x0] =	vst.idx.add.f32.msk $0xffff, v32  }
0xb8: {  	v63 =	vor.u32 v0, v10;
	[tilespmem:v61+s12+$0x0] =	vst.idx.add.f32.msk $0xffff, v35  }
0xb9: {  	v42 =	vor.u32 v2, v36;
	v31 =	vld.idx.msk [tilespmem:v57+s18+$0x0], $0xffff  }
0xba: {  	v44 =	vor.u32 v3, v12;
	v27 =	vnsel vm0, $0x0, v27;
	v20 =	vmul.f32 v20, v16;
	v25 =	vld.idx.msk [tilespmem:v62+s18+$0x0], $0xffff  }
0xbb: {  	v45 =	vor.u32 v2, v28;
	v37 =	vmul.f32 v27, v60  }
0xbc: {  	v47 =	vor.u32 v2, v30;
	[tilespmem:v43+s12+$0x0] =	vst.idx.add.f32.msk $0xffff, v20  }
0xbd: {  	v46 =	vor.u32 v3, v56;
	[tilespmem:v63+s12+$0x0] =	vst.idx.add.f32.msk $0xffff, v37  }
0xbe: {  	v48 =	vor.u32 v3, v33;
	v32 =	vld.idx.msk [tilespmem:v42+s18+$0x0], $0xffff;
	v31 =	vmul.f32 v31, v29  }
0xbf: {  	v35 =	vld.idx.msk [tilespmem:v44+s18+$0x0], $0xffff;
	v25 =	vmul.f32 v25, v24  }
0xc0: {  	v49 =	vor.u32 v2, v10;
	[tilespmem:v45+s12+$0x0] =	vst.idx.add.f32.msk $0xffff, v31  }
0xc1: {  	v50 =	vor.u32 v3, v36;
	[tilespmem:v47+s12+$0x0] =	vst.idx.add.f32.msk $0xffff, v25  }
0xc2: {  	v51 =	vor.u32 v3, v23;
	v34 =	vld.idx.msk [tilespmem:v46+s18+$0x0], $0xffff  }
0xc3: {  	v54 =	vor.u32 v4, v12;
	v20 =	vld.idx.msk [tilespmem:v48+s18+$0x0], $0xffff;
	v32 =	vmul.f32 v32, v27  }
0xc4: {  	v52 =	vor.u32 v3, v28  }
0xc5: {  	v53 =	vor.u32 v3, v30;
	v55 =	vmul.f32 v35, v16;
	[tilespmem:v49+s12+$0x0] =	vst.idx.add.f32.msk $0xffff, v32  }
0xc6: {  	v26 =	vor.u32 v4, v56;
	v32 =	vld.idx.msk [tilespmem:v50+s18+$0x0], $0xffff  }
0xc7: {  	v56 =	vor.u32 v4, v33;
	[tilespmem:v51+s12+$0x0] =	vst.idx.add.f32.msk $0xffff, v55;
	v34 =	vmul.f32 v34, v29  }
0xc8: {  	s24 =	ssub.s32 s24, s23;
	v57 =	vor.u32 v3, v10;
	v12 =	vld.idx.msk [tilespmem:v54+s18+$0x0], $0xffff;
	v20 =	vmul.f32 v20, v24  }
0xc9: {  	s24 =	sadd.s32 $0x1FF, s24;
	v58 =	vor.u32 v4, v36;
	[tilespmem:v52+s12+$0x0] =	vst.idx.add.f32.msk $0xffff, v34  }
0xca: {  	s25 =	sand.u32 $0x1FF, s24;
	[tilespmem:v53+s12+$0x0] =	vst.idx.add.f32.msk $0xffff, v20  }
0xcb: {  	s30 =	sshra.s32 s24, $0x1F;
	p0 =	slt.s32 s24, $0x1;
	p1 =	sne.s32 s25, $0x0;
	v26 =	vld.idx.msk [tilespmem:v26+s18+$0x0], $0xffff;
	v32 =	vmul.f32 v32, v27  }
0xcc: {  	v15 =	vor.u32 v4, v15;
	s31 =	sshrl.u32 s30, $0x17;
	p0 =	por !p0, !p1;
	v25 =	vld.idx.msk [tilespmem:v56+s18+$0x0], $0xffff  }
0xcd: {  	v11 =	vmul.f32 v17, v11;
	s25 =	simm.s32 $0x1;
	s24 =	sadd.s32 s31, s24;
	p0 =	por !p0, !p0;
	v59 =	vor.u32 v4, v23;
	[tilespmem:v57+s12+$0x0] =	vst.idx.add.f32.msk $0xffff, v32  }
0xce: {  	v14 =	vmul.f32 v18, v14;
	s24 =	sshra.s32 s24, $0x9;
	s25 =	simm.s32 @!p0 $0x0;
	v61 =	vor.u32 v4, v28;
	v60 =	vld.idx.msk [tilespmem:v58+s18+$0x0], $0xffff  }
0xcf: {  	[tilespmem:v21+s12+$0x0] =	vst.idx.add.f32.msk $0xffff, v11;
	v11 =	vmul.f32 v19, v13;
	s24 =	ssub.s32 s24, s25;
	v62 =	vor.u32 v4, v30  }
0xd0: {  	[tilespmem:v22+s12+$0x0] =	vst.idx.add.f32.msk $0xffff, v14;
	p0 =	slt.s32 s24, $0x3;
	v10 =	vor.u32 v4, v10;
	v12 =	vmul.f32 v12, v16  }
.Ltmp6:
0xd1: {  	[tilespmem:v15+s12+$0x0] =	vst.idx.add.f32.msk $0xffff, v11;
	v11 =	vmul.f32 v26, v29;
	(pc) =	sbr.rel @p0 .LBB2_12-.Ltmp6, $4  }
0xd2: {  	[tilespmem:v59+s12+$0x0] =	vst.idx.add.f32.msk $0xffff, v12;
	v63 =	vmul.f32 v25, v24  }
0xd3: {  	[tilespmem:v61+s12+$0x0] =	vst.idx.add.f32.msk $0xffff, v11;
	v11 =	vmul.f32 v60, v27  }
0xd4: {  	[tilespmem:v62+s12+$0x0] =	vst.idx.add.f32.msk $0xffff, v63  }
0xd5: {  	[tilespmem:v10+s12+$0x0] =	vst.idx.add.f32.msk $0xffff, v11  }
0xd6: {  	s25 =	sadd.s32 $0xFFFFFFFD, s24;
	s26 =	simm.s32 $0x0;
	s28 =	simm.s32 $0x0  }
.LBB2_9:
0xd7: {  	s29 =	smov.u32 s28;
	s28 =	sadd.s32 $0x1, s28  }
0xd8: {  	s30 =	sshll.u32 s28, $0x9  }
0xd9: {  	s30 =	sadd.s32 s22, s30  }
0xda: {  	s30 =	sshrl.u32 s30, $0x3  }
0xdb: {  	s31 =	sadd.s32 s5, s30  }
0xdc: {  	[tilespmem:s13], [sflag:$0x1] =	stream.linear.gather [hbm4b:s31+s26], $0x200, $0x38;
	[tilespmem:$0x1CE80] =	vst v63  }
0xdd: {  	s31 =	sadd.s32 s6, s30  }
0xde: {  	[tilespmem:s14], [sflag:$0x1] =	stream.linear.gather [hbm4b:s31+s26], $0x200, $0x38;
	[tilespmem:$0x1CE80] =	vst v63  }
0xdf: {  	s30 =	sadd.s32 s7, s30  }
0xe0: {  	[tilespmem:s15], [sflag:$0x1] =	stream.linear.gather [hbm4b:s30+s26], $0x200, $0x38;
	[tilespmem:$0x1CE80] =	vst v63  }
0xe1: {  	_ =	swait.ge [sflag:s16], $0x200  }
0xe2: {  	[sflag:s16] =	ssyncset.done $0x0  }
0xe3: {  	[sflag:s16] =	ssyncadd.s32 $0xFFFFFE00  }
0xe4: {  	_ =	swait.ge [sflag:s16], $0x200  }
0xe5: {  	[sflag:s16] =	ssyncset.done $0x0  }
0xe6: {  	[sflag:s16] =	ssyncadd.s32 $0xFFFFFE00  }
0xe7: {  	_ =	swait.ge [sflag:s16], $0x200  }
0xe8: {  	[sflag:s16] =	ssyncset.done $0x0  }
0xe9: {  	v10 =	vmov s26;
	[sflag:s16] =	ssyncadd.s32 $0xFFFFFE00  }
0xea: {  	v15 =	vshll.u32 v10, $0x7;
	[tilespmem:s18], [sflag:$0x1] =	stream.indirect.gather [hbm4b:s4+s17], $0x80, s13, s17, $0xb8;
	[tilespmem:$0x1CE80] =	vst v63  }
0xeb: {  	v11 =	vor.u32 v0, v15;
	s30 =	simm.s32 $0x3;
	_ =	swait.ge [sflag:s16], $0x10000  }
0xec: {  	v12 =	vmov s30;
	[sflag:s16] =	ssyncset.done $0x0  }
0xed: {  	s30 =	simm.s32 $0x2;
	[sflag:s16] =	ssyncadd.s32 $0xFFFF0000  }
0xee: {  	v14 =	vmov s30;
	s30 =	simm.s32 $0x1;
	v13 =	vld.idx.msk [tilespmem:v10+s15+$0x0], $0xffff  }
0xef: {  	v17 =	vshll.u32 v12, $0x7;
	v18 =	vld.idx.msk [tilespmem:v10+s14+$0x0], $0xffff;
	v10 =	vmov s30  }
0xf0: {  	v16 =	vld.idx.msk [tilespmem:v11+s18+$0x0], $0xffff;
	v11 =	vor.u32 v0, v17  }
0xf1: {  	v20 =	vshll.u32 v14, $0x7;
	v19 =	vld.idx.msk [tilespmem:v12+s15+$0x0], $0xffff  }
0xf2: {  	v22 =	vld.idx.msk [tilespmem:v12+s14+$0x0], $0xffff;
	v12 =	vor.u32 v0, v20  }
0xf3: {  	v21 =	vld.idx.msk [tilespmem:v14+s15+$0x0], $0xffff;
	v23 =	vshll.u32 v10, $0x7;
	v13 =	vsub.s32 v13, v8  }
0xf4: {  	v24 =	vld.idx.msk [tilespmem:v10+s15+$0x0], $0xffff;
	v25 =	vshll.u32 v13, $0x7;
	v13 =	vor.u32 v0, v23  }
0xf5: {  	s30 =	simm.s32 $0x4;
	v27 =	vld.idx.msk [tilespmem:v11+s18+$0x0], $0xffff;
	v26 =	vor.u32 v0, v25  }
0xf6: {  	v11 =	vld.idx.msk [tilespmem:v14+s14+$0x0], $0xffff;
	v14 =	vsub.s32 v19, v8;
	v19 =	vmov s30  }
0xf7: {  	v28 =	vor.u32 v2, v15;
	v29 =	vld.idx.msk [tilespmem:v12+s18+$0x0], $0xffff;
	v30 =	vshll.u32 v14, $0x7  }
0xf8: {  	v12 =	vld.idx.msk [tilespmem:v10+s14+$0x0], $0xffff;
	v10 =	vsub.s32 v21, v8;
	v14 =	vmul.f32 v16, v18;
	v16 =	vor.u32 v0, v30  }
0xf9: {  	v32 =	vor.u32 v2, v17;
	v31 =	vshll.u32 v10, $0x7;
	v21 =	vld.idx.msk [tilespmem:v13+s18+$0x0], $0xffff  }
0xfa: {  	v10 =	vsub.s32 v24, v8;
	[tilespmem:v26+s12+$0x0] =	vst.idx.add.f32.msk $0xffff, v14;
	v14 =	vor.u32 v0, v31  }
0xfb: {  	v27 =	vmul.f32 v27, v22;
	v13 =	vshll.u32 v10, $0x7;
	v10 =	vld.idx.msk [tilespmem:v19+s14+$0x0], $0xffff;
	v26 =	vor.u32 v2, v20  }
0xfc: {  	v54 =	vor.u32 v0, v13;
	v24 =	vld.idx.msk [tilespmem:v28+s18+$0x0], $0xffff  }
0xfd: {  	v33 =	vor.u32 v2, v23;
	v29 =	vmul.f32 v29, v11;
	[tilespmem:v16+s12+$0x0] =	vst.idx.add.f32.msk $0xffff, v27  }
0xfe: {  	v16 =	vor.u32 v2, v25;
	v27 =	vld.idx.msk [tilespmem:v32+s18+$0x0], $0xffff  }
0xff: {  	v21 =	vmul.f32 v21, v12;
	[tilespmem:v14+s12+$0x0] =	vst.idx.add.f32.msk $0xffff, v29  }
0x100: {  	v55 =	vor.u32 v3, v15;
	v14 =	vld.idx.msk [tilespmem:v26+s18+$0x0], $0xffff  }
0x101: {  	v24 =	vmul.f32 v24, v18;
	[tilespmem:v54+s12+$0x0] =	vst.idx.add.f32.msk $0xffff, v21;
	v21 =	vor.u32 v2, v30  }
0x102: {  	v56 =	vor.u32 v3, v17;
	v26 =	vld.idx.msk [tilespmem:v33+s18+$0x0], $0xffff  }
0x103: {  	[tilespmem:v16+s12+$0x0] =	vst.idx.add.f32.msk $0xffff, v24;
	v24 =	vor.u32 v2, v31  }
0x104: {  	v58 =	vor.u32 v3, v20;
	v27 =	vmul.f32 v27, v22;
	v16 =	vld.idx.msk [tilespmem:v19+s15+$0x0], $0xffff  }
0x105: {  	v59 =	vor.u32 v2, v13;
	v57 =	vld.idx.msk [tilespmem:v55+s18+$0x0], $0xffff  }
0x106: {  	v34 =	vor.u32 v3, v23;
	v35 =	vmul.f32 v14, v11;
	[tilespmem:v21+s12+$0x0] =	vst.idx.add.f32.msk $0xffff, v27  }
0x107: {  	v21 =	vor.u32 v3, v25;
	v27 =	vld.idx.msk [tilespmem:v56+s18+$0x0], $0xffff  }
0x108: {  	v15 =	vor.u32 v4, v15;
	v14 =	vshll.u32 v19, $0x7;
	v19 =	vmul.f32 v26, v12;
	[tilespmem:v24+s12+$0x0] =	vst.idx.add.f32.msk $0xffff, v35  }
0x109: {  	v24 =	vor.u32 v0, v14;
	v26 =	vld.idx.msk [tilespmem:v58+s18+$0x0], $0xffff  }
0x10a: {  	v60 =	vmul.f32 v57, v18;
	[tilespmem:v59+s12+$0x0] =	vst.idx.add.f32.msk $0xffff, v19;
	v19 =	vor.u32 v3, v30  }
0x10b: {  	v17 =	vor.u32 v4, v17;
	v61 =	vld.idx.msk [tilespmem:v34+s18+$0x0], $0xffff  }
0x10c: {  	v62 =	vor.u32 v3, v31;
	[tilespmem:v21+s12+$0x0] =	vst.idx.add.f32.msk $0xffff, v60  }
0x10d: {  	v20 =	vor.u32 v4, v20;
	v15 =	vld.idx.msk [tilespmem:v15+s18+$0x0], $0xffff;
	v27 =	vmul.f32 v27, v22  }
0x10e: {  	v21 =	vld.idx.msk [tilespmem:v24+s18+$0x0], $0xffff;
	v24 =	vor.u32 v3, v13  }
0x10f: {  	v23 =	vor.u32 v4, v23;
	v26 =	vmul.f32 v26, v11;
	[tilespmem:v19+s12+$0x0] =	vst.idx.add.f32.msk $0xffff, v27  }
0x110: {  	s30 =	simm.s32 $0x7;
	v27 =	vor.u32 v4, v25;
	v63 =	vld.idx.msk [tilespmem:v17+s18+$0x0], $0xffff  }
0x111: {  	v25 =	vmov s30;
	v19 =	vmul.f32 v61, v12;
	[tilespmem:v62+s12+$0x0] =	vst.idx.add.f32.msk $0xffff, v26  }
0x112: {  	v17 =	vld.idx.msk [tilespmem:v20+s18+$0x0], $0xffff  }
0x113: {  	s30 =	simm.s32 $0x6;
	v15 =	vmul.f32 v15, v18;
	[tilespmem:v24+s12+$0x0] =	vst.idx.add.f32.msk $0xffff, v19;
	v19 =	vor.u32 v4, v30  }
0x114: {  	v24 =	vmov s30;
	v18 =	vld.idx.msk [tilespmem:v23+s18+$0x0], $0xffff  }
0x115: {  	v20 =	vor.u32 v4, v31;
	s30 =	simm.s32 $0x5;
	[tilespmem:v27+s12+$0x0] =	vst.idx.add.f32.msk $0xffff, v15  }
0x116: {  	v23 =	vmov s30;
	v15 =	vld.idx.msk [tilespmem:v25+s14+$0x0], $0xffff;
	s30 =	simm.s32 $0x8;
	v22 =	vmul.f32 v63, v22  }
.LBB2_10:
0x117: {  	p0 =	slt.u32 s30, $0x1FC;
	v26 =	vld.idx.msk [tilespmem:v25+s15+$0x0], $0xffff;
	v25 =	vshll.u32 v25, $0x7;
	v13 =	vor.u32 v4, v13  }
0x118: {  	v11 =	vmul.f32 v17, v11;
	v27 =	vor.u32 v0, v25;
	[tilespmem:v19+s12+$0x0] =	vst.idx.add.f32.msk $0xffff, v22  }
0x119: {  	v19 =	vshll.u32 v24, $0x7;
	v17 =	vld.idx.msk [tilespmem:v24+s15+$0x0], $0xffff  }
0x11a: {  	v22 =	vor.u32 v0, v19;
	v12 =	vmul.f32 v18, v12;
	[tilespmem:v20+s12+$0x0] =	vst.idx.add.f32.msk $0xffff, v11  }
0x11b: {  	v18 =	vshll.u32 v23, $0x7;
	v11 =	vsub.s32 v16, v8;
	v16 =	vld.idx.msk [tilespmem:v23+s15+$0x0], $0xffff  }
0x11c: {  	v28 =	vor.u32 v0, v18;
	v20 =	vshll.u32 v11, $0x7;
	[tilespmem:v13+s12+$0x0] =	vst.idx.add.f32.msk $0xffff, v12  }
0x11d: {  	v13 =	vor.u32 v0, v20;
	v27 =	vld.idx.msk [tilespmem:v27+s18+$0x0], $0xffff  }
0x11e: {  	v29 =	vor.u32 v2, v14;
	v12 =	vsub.s32 v26, v8;
	v11 =	vld.idx.msk [tilespmem:v24+s14+$0x0], $0xffff  }
0x11f: {  	v26 =	vshll.u32 v12, $0x7;
	v24 =	vmov s30;
	v22 =	vld.idx.msk [tilespmem:v22+s18+$0x0], $0xffff  }
0x120: {  	v21 =	vmul.f32 v21, v10;
	v17 =	vsub.s32 v17, v8;
	v12 =	vld.idx.msk [tilespmem:v23+s14+$0x0], $0xffff;
	v23 =	vor.u32 v0, v26  }
0x121: {  	v30 =	vshll.u32 v17, $0x7;
	v17 =	vor.u32 v2, v25;
	v28 =	vld.idx.msk [tilespmem:v28+s18+$0x0], $0xffff  }
0x122: {  	[tilespmem:v13+s12+$0x0] =	vst.idx.add.f32.msk $0xffff, v21;
	v13 =	vsub.s32 v16, v8;
	v16 =	vor.u32 v0, v30  }
0x123: {  	v27 =	vmul.f32 v27, v15;
	v21 =	vld.idx.msk [tilespmem:v29+s18+$0x0], $0xffff;
	v13 =	vshll.u32 v13, $0x7;
	v29 =	vor.u32 v2, v19  }
0x124: {  	v31 =	vld.idx.msk [tilespmem:v24+s14+$0x0], $0xffff;
	v32 =	vor.u32 v0, v13  }
0x125: {  	v33 =	vor.u32 v2, v18;
	v22 =	vmul.f32 v22, v11;
	[tilespmem:v23+s12+$0x0] =	vst.idx.add.f32.msk $0xffff, v27  }
0x126: {  	v23 =	vor.u32 v2, v20;
	v17 =	vld.idx.msk [tilespmem:v17+s18+$0x0], $0xffff  }
0x127: {  	v27 =	vor.u32 v3, v14;
	v28 =	vmul.f32 v28, v12;
	[tilespmem:v16+s12+$0x0] =	vst.idx.add.f32.msk $0xffff, v22  }
0x128: {  	v22 =	vld.idx.msk [tilespmem:v29+s18+$0x0], $0xffff  }
0x129: {  	v16 =	vmul.f32 v21, v10;
	v21 =	vor.u32 v2, v26;
	[tilespmem:v32+s12+$0x0] =	vst.idx.add.f32.msk $0xffff, v28  }
0x12a: {  	v29 =	vor.u32 v3, v25;
	v28 =	vld.idx.msk [tilespmem:v33+s18+$0x0], $0xffff  }
0x12b: {  	[tilespmem:v23+s12+$0x0] =	vst.idx.add.f32.msk $0xffff, v16;
	v23 =	vor.u32 v2, v30  }
0x12c: {  	v32 =	vor.u32 v3, v19;
	v17 =	vmul.f32 v17, v15;
	v27 =	vld.idx.msk [tilespmem:v27+s18+$0x0], $0xffff  }
0x12d: {  	v33 =	vor.u32 v2, v13;
	v16 =	vld.idx.msk [tilespmem:v24+s15+$0x0], $0xffff  }
0x12e: {  	v34 =	vor.u32 v3, v18;
	v22 =	vmul.f32 v22, v11;
	[tilespmem:v21+s12+$0x0] =	vst.idx.add.f32.msk $0xffff, v17  }
0x12f: {  	v17 =	vor.u32 v3, v20;
	v21 =	vld.idx.msk [tilespmem:v29+s18+$0x0], $0xffff  }
0x130: {  	v29 =	vor.u32 v4, v14;
	v14 =	vshll.u32 v24, $0x7;
	v24 =	vmul.f32 v28, v12;
	[tilespmem:v23+s12+$0x0] =	vst.idx.add.f32.msk $0xffff, v22  }
0x131: {  	v22 =	vor.u32 v0, v14;
	v23 =	vld.idx.msk [tilespmem:v32+s18+$0x0], $0xffff  }
0x132: {  	v27 =	vmul.f32 v27, v10;
	[tilespmem:v33+s12+$0x0] =	vst.idx.add.f32.msk $0xffff, v24;
	v24 =	vor.u32 v3, v26  }
0x133: {  	v25 =	vor.u32 v4, v25;
	v28 =	vld.idx.msk [tilespmem:v34+s18+$0x0], $0xffff  }
0x134: {  	[tilespmem:v17+s12+$0x0] =	vst.idx.add.f32.msk $0xffff, v27;
	v17 =	vor.u32 v3, v30  }
0x135: {  	v19 =	vor.u32 v4, v19;
	v27 =	vld.idx.msk [tilespmem:v29+s18+$0x0], $0xffff;
	v29 =	vmul.f32 v21, v15  }
0x136: {  	v21 =	vld.idx.msk [tilespmem:v22+s18+$0x0], $0xffff;
	v22 =	vor.u32 v3, v13  }
0x137: {  	v18 =	vor.u32 v4, v18;
	v23 =	vmul.f32 v23, v11;
	[tilespmem:v24+s12+$0x0] =	vst.idx.add.f32.msk $0xffff, v29  }
0x138: {  	s31 =	sadd.s32 $0x3, s30;
	v20 =	vor.u32 v4, v20;
	v29 =	vld.idx.msk [tilespmem:v25+s18+$0x0], $0xffff  }
0x139: {  	v25 =	vmov s31;
	v24 =	vmul.f32 v28, v12;
	[tilespmem:v17+s12+$0x0] =	vst.idx.add.f32.msk $0xffff, v23  }
.Ltmp7:
0x13a: {  	v17 =	vld.idx.msk [tilespmem:v19+s18+$0x0], $0xffff;
	(pc) =	sbr.rel @p0 .LBB2_10-.Ltmp7, $4  }
0x13b: {  	s31 =	sadd.s32 $0x2, s30;
	v23 =	vmul.f32 v27, v10;
	v19 =	vor.u32 v4, v26;
	v10 =	vmov v31;
	[tilespmem:v22+s12+$0x0] =	vst.idx.add.f32.msk $0xffff, v24  }
0x13c: {  	v24 =	vmov s31;
	v18 =	vld.idx.msk [tilespmem:v18+s18+$0x0], $0xffff  }
0x13d: {  	s31 =	sadd.s32 $0x1, s30;
	[tilespmem:v20+s12+$0x0] =	vst.idx.add.f32.msk $0xffff, v23;
	v20 =	vor.u32 v4, v30  }
0x13e: {  	s30 =	sadd.s32 $0x4, s30;
	v23 =	vmov s31;
	v22 =	vmul.f32 v29, v15;
	v15 =	vld.idx.msk [tilespmem:v25+s14+$0x0], $0xffff  }
0x13f: {  	_ =	sdelay $0x2  }
0x140: {  	v26 =	vshll.u32 v25, $0x7  }
0x141: {  	v60 =	vld.idx.msk [tilespmem:v25+s15+$0x0], $0xffff;
	v28 =	vshll.u32 v24, $0x7;
	v27 =	vor.u32 v0, v26  }
0x142: {  	v29 =	vld.idx.msk [tilespmem:v24+s15+$0x0], $0xffff;
	v16 =	vsub.s32 v16, v8;
	v31 =	vshll.u32 v23, $0x7;
	v30 =	vor.u32 v0, v28  }
0x143: {  	v32 =	vld.idx.msk [tilespmem:v23+s15+$0x0], $0xffff;
	v16 =	vshll.u32 v16, $0x7;
	v33 =	vor.u32 v0, v31  }
0x144: {  	v24 =	vld.idx.msk [tilespmem:v24+s14+$0x0], $0xffff;
	v34 =	vor.u32 v0, v16  }
0x145: {  	v23 =	vld.idx.msk [tilespmem:v23+s14+$0x0], $0xffff  }
0x146: {  	v35 =	vor.u32 v2, v14;
	v25 =	vsub.s32 v60, v8;
	v27 =	vld.idx.msk [tilespmem:v27+s18+$0x0], $0xffff  }
0x147: {  	v21 =	vmul.f32 v21, v10;
	v29 =	vsub.s32 v29, v8;
	v25 =	vshll.u32 v25, $0x7;
	v30 =	vld.idx.msk [tilespmem:v30+s18+$0x0], $0xffff  }
0x148: {  	v32 =	vsub.s32 v32, v8;
	v29 =	vshll.u32 v29, $0x7;
	v33 =	vld.idx.msk [tilespmem:v33+s18+$0x0], $0xffff;
	v36 =	vor.u32 v0, v25  }
0x149: {  	v38 =	vor.u32 v0, v29;
	[tilespmem:v34+s12+$0x0] =	vst.idx.add.f32.msk $0xffff, v21;
	v21 =	vshll.u32 v32, $0x7  }
0x14a: {  	v62 =	vor.u32 v0, v21  }
0x14b: {  	v37 =	vor.u32 v2, v26;
	v27 =	vmul.f32 v27, v15  }
0x14c: {  	v61 =	vor.u32 v2, v28;
	v34 =	vld.idx.msk [tilespmem:v35+s18+$0x0], $0xffff;
	v30 =	vmul.f32 v30, v24  }
0x14d: {  	v63 =	vor.u32 v2, v31;
	v33 =	vmul.f32 v33, v23;
	[tilespmem:v36+s12+$0x0] =	vst.idx.add.f32.msk $0xffff, v27  }
0x14e: {  	[tilespmem:v38+s12+$0x0] =	vst.idx.add.f32.msk $0xffff, v30  }
0x14f: {  	[tilespmem:v62+s12+$0x0] =	vst.idx.add.f32.msk $0xffff, v33  }
0x150: {  	v40 =	vor.u32 v2, v16;
	v37 =	vld.idx.msk [tilespmem:v37+s18+$0x0], $0xffff  }
0x151: {  	v41 =	vor.u32 v3, v14;
	v32 =	vld.idx.msk [tilespmem:v61+s18+$0x0], $0xffff  }
0x152: {  	v42 =	vor.u32 v2, v25;
	v27 =	vld.idx.msk [tilespmem:v63+s18+$0x0], $0xffff  }
0x153: {  	v44 =	vor.u32 v2, v29;
	v34 =	vmul.f32 v34, v10  }
0x154: {  	v47 =	vor.u32 v2, v21  }
0x155: {  	v43 =	vor.u32 v3, v26;
	[tilespmem:v40+s12+$0x0] =	vst.idx.add.f32.msk $0xffff, v34;
	v46 =	vmul.f32 v37, v15  }
0x156: {  	v45 =	vor.u32 v3, v28;
	v30 =	vld.idx.msk [tilespmem:v41+s18+$0x0], $0xffff;
	v32 =	vmul.f32 v32, v24  }
0x157: {  	v48 =	vor.u32 v3, v31;
	v27 =	vmul.f32 v27, v23;
	[tilespmem:v42+s12+$0x0] =	vst.idx.add.f32.msk $0xffff, v46  }
0x158: {  	[tilespmem:v44+s12+$0x0] =	vst.idx.add.f32.msk $0xffff, v32  }
0x159: {  	[tilespmem:v47+s12+$0x0] =	vst.idx.add.f32.msk $0xffff, v27  }
0x15a: {  	v49 =	vor.u32 v3, v16;
	v33 =	vld.idx.msk [tilespmem:v43+s18+$0x0], $0xffff  }
0x15b: {  	v52 =	vor.u32 v4, v14;
	v34 =	vld.idx.msk [tilespmem:v45+s18+$0x0], $0xffff  }
0x15c: {  	v50 =	vor.u32 v3, v25;
	v54 =	vld.idx.msk [tilespmem:v48+s18+$0x0], $0xffff  }
0x15d: {  	v51 =	vor.u32 v3, v29;
	v53 =	vmul.f32 v30, v10  }
0x15e: {  	v57 =	vor.u32 v3, v21  }
0x15f: {  	v26 =	vor.u32 v4, v26;
	[tilespmem:v49+s12+$0x0] =	vst.idx.add.f32.msk $0xffff, v53;
	v33 =	vmul.f32 v33, v15  }
0x160: {  	v55 =	vor.u32 v4, v28;
	v14 =	vld.idx.msk [tilespmem:v52+s18+$0x0], $0xffff;
	v56 =	vmul.f32 v34, v24  }
0x161: {  	v58 =	vor.u32 v4, v31;
	v30 =	vmul.f32 v54, v23;
	[tilespmem:v50+s12+$0x0] =	vst.idx.add.f32.msk $0xffff, v33  }
0x162: {  	[tilespmem:v51+s12+$0x0] =	vst.idx.add.f32.msk $0xffff, v56  }
0x163: {  	[tilespmem:v57+s12+$0x0] =	vst.idx.add.f32.msk $0xffff, v30  }
0x164: {  	v13 =	vor.u32 v4, v13;
	v26 =	vld.idx.msk [tilespmem:v26+s18+$0x0], $0xffff  }
0x165: {  	v16 =	vor.u32 v4, v16;
	v27 =	vld.idx.msk [tilespmem:v55+s18+$0x0], $0xffff  }
0x166: {  	v11 =	vmul.f32 v17, v11;
	v59 =	vor.u32 v4, v25;
	v60 =	vld.idx.msk [tilespmem:v58+s18+$0x0], $0xffff  }
0x167: {  	[tilespmem:v19+s12+$0x0] =	vst.idx.add.f32.msk $0xffff, v22;
	v12 =	vmul.f32 v18, v12;
	v61 =	vor.u32 v4, v29  }
0x168: {  	[tilespmem:v20+s12+$0x0] =	vst.idx.add.f32.msk $0xffff, v11;
	v11 =	vor.u32 v4, v21;
	v10 =	vmul.f32 v14, v10  }
0x169: {  	[tilespmem:v13+s12+$0x0] =	vst.idx.add.f32.msk $0xffff, v12;
	v62 =	vmul.f32 v26, v15  }
0x16a: {  	[tilespmem:v16+s12+$0x0] =	vst.idx.add.f32.msk $0xffff, v10;
	v10 =	vmul.f32 v27, v24  }
0x16b: {  	v63 =	vmul.f32 v60, v23;
	[tilespmem:v59+s12+$0x0] =	vst.idx.add.f32.msk $0xffff, v62  }
0x16c: {  	[tilespmem:v61+s12+$0x0] =	vst.idx.add.f32.msk $0xffff, v10  }
0x16d: {  	[tilespmem:v11+s12+$0x0] =	vst.idx.add.f32.msk $0xffff, v63  }
0x16e: {  	p0 =	seq.s32 s29, s25  }
.Ltmp8:
0x16f: {  	_ = 	snop;
	(pc) =	sbr.rel @!p0 .LBB2_9-.Ltmp8, $1  }
0x170: {  	_ =	sdelay $0x3  }
.LBB2_12:
0x171: {  	p0 =	slt.s32 s24, $0x2  }
.Ltmp9:
0x172: {  	_ = 	snop;
	(pc) =	sbr.rel @p0 .LBB2_16-.Ltmp9, $1  }
0x173: {  	_ =	sdelay $0x3  }
0x174: {  	s22 =	sshll.u32 s24, $0x9  }
0x175: {  	s22 =	sadd.s32 s22, s23  }
0x176: {  	s22 =	sadd.s32 $0xFFFFFE00, s22  }
0x177: {  	s30 =	sshrl.u32 s22, $0x3  }
0x178: {  	s25 =	simm.s32 $0x0;
	s31 =	sadd.s32 s5, s30  }
0x179: {  	[tilespmem:s13], [sflag:$0x1] =	stream.linear.gather [hbm4b:s31+s25], $0x200, $0x38;
	[tilespmem:$0x1CE80] =	vst v63  }
0x17a: {  	s26 =	sadd.s32 s6, s30  }
0x17b: {  	[tilespmem:s14], [sflag:$0x1] =	stream.linear.gather [hbm4b:s26+s25], $0x200, $0x38;
	[tilespmem:$0x1CE80] =	vst v63  }
0x17c: {  	s23 =	sadd.s32 s7, s30  }
0x17d: {  	[tilespmem:s15], [sflag:$0x1] =	stream.linear.gather [hbm4b:s23+s25], $0x200, $0x38;
	[tilespmem:$0x1CE80] =	vst v63  }
0x17e: {  	_ =	swait.ge [sflag:s16], $0x200  }
0x17f: {  	[sflag:s16] =	ssyncset.done $0x0  }
0x180: {  	[sflag:s16] =	ssyncadd.s32 $0xFFFFFE00  }
0x181: {  	_ =	swait.ge [sflag:s16], $0x200  }
0x182: {  	[sflag:s16] =	ssyncset.done $0x0  }
0x183: {  	[sflag:s16] =	ssyncadd.s32 $0xFFFFFE00  }
0x184: {  	_ =	swait.ge [sflag:s16], $0x200  }
0x185: {  	[sflag:s16] =	ssyncset.done $0x0  }
0x186: {  	v10 =	vmov s25;
	[sflag:s16] =	ssyncadd.s32 $0xFFFFFE00  }
0x187: {  	[tilespmem:s18], [sflag:$0x1] =	stream.indirect.gather [hbm4b:s4+s17], $0x80, s13, s17, $0xb8;
	[tilespmem:$0x1CE80] =	vst v63  }
0x188: {  	_ =	swait.ge [sflag:s16], $0x10000  }
0x189: {  	v16 =	vshll.u32 v10, $0x7;
	[sflag:s16] =	ssyncset.done $0x0  }
0x18a: {  	s28 =	simm.s32 $0x3;
	v12 =	vor.u32 v0, v16;
	[sflag:s16] =	ssyncadd.s32 $0xFFFF0000  }
0x18b: {  	v14 =	vmov s28;
	v11 =	vmov s22;
	v13 =	vld.idx.msk [tilespmem:v10+s14+$0x0], $0xffff  }
0x18c: {  	s29 =	simm.s32 $0x2;
	v15 =	vadd.s32 s25, v11;
	v10 =	vld.idx.msk [tilespmem:v10+s15+$0x0], $0xffff  }
0x18d: {  	vm0 =	vge.s32 v15, v9;
	vm1 =	vlt.s32 v15, v7;
	v15 =	vmov s29;
	_ =	sdelay $0x1  }
0x18e: {  	v20 =	vshll.u32 v14, $0x7;
	v12 =	vld.idx.msk [tilespmem:v12+s18+$0x0], $0xffff  }
0x18f: {  	v17 =	vor.u32 v2, v16;
	s30 =	simm.s32 $0x1;
	v31 =	vadd.s32 s29, v11;
	vm0 =	vmand vm0, vm1;
	v18 =	vld.idx.msk [tilespmem:v14+s15+$0x0], $0xffff  }
0x190: {  	v10 =	vsub.s32 v10, v8;
	v19 =	vnsel vm0, $0x0, v13;
	v13 =	vmov s30  }
0x191: {  	v23 =	vadd.s32 s28, v11;
	vm2 =	vlt.s32 v31, v7;
	v22 =	vld.idx.msk [tilespmem:v15+s15+$0x0], $0xffff;
	v10 =	vshll.u32 v10, $0x7  }
0x192: {  	s31 =	simm.s32 $0x4;
	v25 =	vshll.u32 v15, $0x7;
	v21 =	vnsel vm0, $0x0, v10;
	v10 =	vld.idx.msk [tilespmem:v14+s14+$0x0], $0xffff;
	v14 =	vor.u32 v0, v20  }
0x193: {  	v26 =	vmov s31;
	vm1 =	vlt.s32 v23, v7;
	v27 =	vor.u32 v0, v25  }
0x194: {  	v18 =	vsub.s32 v18, v8;
	v12 =	vmul.f32 v19, v12;
	v28 =	vshll.u32 v13, $0x7  }
0x195: {  	vm0 =	vge.s32 v23, v9;
	v23 =	vor.u32 v2, v20;
	v30 =	vor.u32 v0, v28;
	v29 =	vld.idx.msk [tilespmem:v13+s15+$0x0], $0xffff  }
0x196: {  	v15 =	vld.idx.msk [tilespmem:v15+s14+$0x0], $0xffff;
	v24 =	vor.u32 v0, v21;
	vm0 =	vmand vm0, vm1;
	vm1 =	vge.s32 v31, v9  }
0x197: {  	vm1 =	vmand vm1, vm2;
	v32 =	vld.idx.msk [tilespmem:v14+s18+$0x0], $0xffff;
	v14 =	vshll.u32 v18, $0x7;
	v18 =	vsub.s32 v22, v8  }
0x198: {  	v10 =	vnsel vm0, $0x0, v10;
	v22 =	vld.idx.msk [tilespmem:v27+s18+$0x0], $0xffff;
	v18 =	vshll.u32 v18, $0x7;
	v27 =	vnsel vm0, $0x0, v14  }
0x199: {  	v13 =	vld.idx.msk [tilespmem:v13+s14+$0x0], $0xffff;
	v14 =	vadd.s32 s30, v11;
	v52 =	vnsel vm1, $0x0, v18;
	v18 =	vor.u32 v0, v27  }
0x19a: {  	v53 =	vld.idx.msk [tilespmem:v30+s18+$0x0], $0xffff;
	vm0 =	vge.s32 v14, v9;
	vm2 =	vlt.s32 v14, v7;
	v14 =	vsub.s32 v29, v8  }
0x19b: {  	[tilespmem:v24+s12+$0x0] =	vst.idx.add.f32.msk $0xffff, v12;
	vm0 =	vmand vm0, vm2;
	v24 =	vor.u32 v0, v52;
	v12 =	vshll.u32 v14, $0x7  }
0x19c: {  	v55 =	vld.idx.msk [tilespmem:v26+s14+$0x0], $0xffff;
	v14 =	vnsel vm0, $0x0, v12;
	v12 =	vor.u32 v2, v25;
	v54 =	vmul.f32 v10, v32  }
0x19d: {  	v15 =	vnsel vm1, $0x0, v15;
	v17 =	vld.idx.msk [tilespmem:v17+s18+$0x0], $0xffff;
	v33 =	vor.u32 v0, v14  }
0x19e: {  	v34 =	vor.u32 v2, v28;
	v22 =	vmul.f32 v15, v22;
	[tilespmem:v18+s12+$0x0] =	vst.idx.add.f32.msk $0xffff, v54  }
0x19f: {  	v13 =	vnsel vm0, $0x0, v13;
	v18 =	vor.u32 v2, v21;
	v23 =	vld.idx.msk [tilespmem:v23+s18+$0x0], $0xffff  }
0x1a0: {  	v29 =	vmul.f32 v13, v53;
	[tilespmem:v24+s12+$0x0] =	vst.idx.add.f32.msk $0xffff, v22  }
0x1a1: {  	v56 =	vor.u32 v3, v16;
	v12 =	vld.idx.msk [tilespmem:v12+s18+$0x0], $0xffff  }
0x1a2: {  	v17 =	vmul.f32 v17, v19;
	v22 =	vor.u32 v2, v27;
	[tilespmem:v33+s12+$0x0] =	vst.idx.add.f32.msk $0xffff, v29  }
0x1a3: {  	v57 =	vor.u32 v3, v20;
	v24 =	vld.idx.msk [tilespmem:v34+s18+$0x0], $0xffff  }
0x1a4: {  	[tilespmem:v18+s12+$0x0] =	vst.idx.add.f32.msk $0xffff, v17;
	v17 =	vor.u32 v2, v52  }
0x1a5: {  	v58 =	vor.u32 v3, v25;
	v59 =	vld.idx.msk [tilespmem:v26+s15+$0x0], $0xffff;
	v23 =	vmul.f32 v23, v10  }
0x1a6: {  	v60 =	vor.u32 v2, v14;
	v18 =	vld.idx.msk [tilespmem:v56+s18+$0x0], $0xffff  }
0x1a7: {  	v35 =	vor.u32 v3, v28;
	v36 =	vmul.f32 v12, v15;
	[tilespmem:v22+s12+$0x0] =	vst.idx.add.f32.msk $0xffff, v23  }
0x1a8: {  	v22 =	vor.u32 v3, v21;
	v23 =	vld.idx.msk [tilespmem:v57+s18+$0x0], $0xffff  }
0x1a9: {  	v16 =	vor.u32 v4, v16;
	v12 =	vshll.u32 v26, $0x7;
	v24 =	vmul.f32 v24, v13;
	[tilespmem:v17+s12+$0x0] =	vst.idx.add.f32.msk $0xffff, v36  }
0x1aa: {  	v17 =	vor.u32 v0, v12;
	v26 =	vld.idx.msk [tilespmem:v58+s18+$0x0], $0xffff  }
0x1ab: {  	v18 =	vmul.f32 v18, v19;
	[tilespmem:v60+s12+$0x0] =	vst.idx.add.f32.msk $0xffff, v24;
	v24 =	vor.u32 v3, v27  }
0x1ac: {  	v20 =	vor.u32 v4, v20;
	v61 =	vld.idx.msk [tilespmem:v35+s18+$0x0], $0xffff  }
0x1ad: {  	[tilespmem:v22+s12+$0x0] =	vst.idx.add.f32.msk $0xffff, v18;
	v18 =	vor.u32 v3, v52  }
0x1ae: {  	v22 =	vor.u32 v4, v25;
	v16 =	vld.idx.msk [tilespmem:v16+s18+$0x0], $0xffff;
	v23 =	vmul.f32 v23, v10  }
0x1af: {  	v62 =	vor.u32 v3, v14;
	v25 =	vld.idx.msk [tilespmem:v17+s18+$0x0], $0xffff  }
0x1b0: {  	v28 =	vor.u32 v4, v28;
	v26 =	vmul.f32 v26, v15;
	[tilespmem:v24+s12+$0x0] =	vst.idx.add.f32.msk $0xffff, v23  }
0x1b1: {  	s25 =	simm.s32 $0x7;
	v23 =	vor.u32 v4, v21;
	v17 =	vld.idx.msk [tilespmem:v20+s18+$0x0], $0xffff  }
0x1b2: {  	v20 =	vadd.s32 s31, v11;
	v21 =	vmul.f32 v61, v13;
	[tilespmem:v18+s12+$0x0] =	vst.idx.add.f32.msk $0xffff, v26;
	v26 =	vmov s25  }
0x1b3: {  	s23 =	simm.s32 $0x6;
	vm0 =	vge.s32 v20, v9;
	vm1 =	vlt.s32 v20, v7;
	v18 =	vld.idx.msk [tilespmem:v22+s18+$0x0], $0xffff  }
0x1b4: {  	v24 =	vmov s23;
	v20 =	vor.u32 v2, v12;
	v63 =	vmul.f32 v16, v19;
	[tilespmem:v62+s12+$0x0] =	vst.idx.add.f32.msk $0xffff, v21  }
0x1b5: {  	v22 =	vsub.s32 v59, v8;
	vm0 =	vmand vm0, vm1;
	v21 =	vor.u32 v4, v27;
	v19 =	vld.idx.msk [tilespmem:v28+s18+$0x0], $0xffff  }
0x1b6: {  	s24 =	simm.s32 $0x5;
	s22 =	simm.s32 $0x8;
	v22 =	vshll.u32 v22, $0x7;
	v16 =	vnsel vm0, $0x0, v55;
	[tilespmem:v23+s12+$0x0] =	vst.idx.add.f32.msk $0xffff, v63;
	v23 =	vor.u32 v4, v52  }
.LBB2_14:
0x1b7: {  	p0 =	slt.u32 s22, $0x1FC;
	v25 =	vmul.f32 v16, v25;
	v22 =	vnsel vm0, $0x0, v22;
	v27 =	vmov s24;
	v28 =	vld.idx.msk [tilespmem:v26+s15+$0x0], $0xffff  }
0x1b8: {  	v14 =	vor.u32 v4, v14;
	v10 =	vmul.f32 v17, v10;
	v29 =	vld.idx.msk [tilespmem:v26+s14+$0x0], $0xffff;
	v26 =	vshll.u32 v26, $0x7  }
0x1b9: {  	v30 =	vadd.s32 s25, v11;
	v15 =	vmul.f32 v18, v15;
	v17 =	vld.idx.msk [tilespmem:v24+s15+$0x0], $0xffff;
	v31 =	vor.u32 v0, v26  }
0x1ba: {  	v32 =	vshll.u32 v24, $0x7;
	v18 =	vor.u32 v0, v22;
	vm0 =	vge.s32 v30, v9;
	[tilespmem:v21+s12+$0x0] =	vst.idx.add.f32.msk $0xffff, v10  }
0x1bb: {  	v33 =	vor.u32 v0, v32;
	v21 =	vmov s22;
	v10 =	vmul.f32 v19, v13;
	[tilespmem:v23+s12+$0x0] =	vst.idx.add.f32.msk $0xffff, v15  }
0x1bc: {  	vm1 =	vlt.s32 v30, v7;
	v19 =	vshll.u32 v27, $0x7;
	v23 =	vor.u32 v2, v26;
	v13 =	vld.idx.msk [tilespmem:v27+s15+$0x0], $0xffff  }
0x1bd: {  	vm0 =	vmand vm0, vm1;
	v15 =	vor.u32 v0, v19;
	v28 =	vsub.s32 v28, v8;
	[tilespmem:v14+s12+$0x0] =	vst.idx.add.f32.msk $0xffff, v10  }
0x1be: {  	v14 =	vadd.s32 s23, v11;
	v10 =	vnsel vm0, $0x0, v29;
	v28 =	vshll.u32 v28, $0x7;
	v29 =	vld.idx.msk [tilespmem:v31+s18+$0x0], $0xffff  }
0x1bf: {  	vm1 =	vge.s32 v14, v9;
	vm2 =	vlt.s32 v14, v7;
	v14 =	vsub.s32 v17, v8;
	v24 =	vld.idx.msk [tilespmem:v24+s14+$0x0], $0xffff  }
0x1c0: {  	v28 =	vnsel vm0, $0x0, v28;
	vm1 =	vmand vm1, vm2;
	v14 =	vshll.u32 v14, $0x7;
	v17 =	vld.idx.msk [tilespmem:v33+s18+$0x0], $0xffff  }
0x1c1: {  	v30 =	vadd.s32 s24, v11;
	v31 =	vnsel vm1, $0x0, v14;
	v33 =	vor.u32 v0, v28;
	v27 =	vld.idx.msk [tilespmem:v27+s14+$0x0], $0xffff  }
0x1c2: {  	vm0 =	vge.s32 v30, v9;
	vm2 =	vlt.s32 v30, v7;
	v13 =	vsub.s32 v13, v8;
	v30 =	vld.idx.msk [tilespmem:v15+s18+$0x0], $0xffff  }
0x1c3: {  	vm0 =	vmand vm0, vm2;
	v13 =	vshll.u32 v13, $0x7;
	[tilespmem:v18+s12+$0x0] =	vst.idx.add.f32.msk $0xffff, v25;
	v18 =	vor.u32 v0, v31  }
0x1c4: {  	v14 =	vnsel vm0, $0x0, v13;
	v25 =	vor.u32 v2, v32;
	v13 =	vmul.f32 v10, v29;
	v20 =	vld.idx.msk [tilespmem:v20+s18+$0x0], $0xffff  }
0x1c5: {  	v34 =	vor.u32 v0, v14;
	v15 =	vnsel vm1, $0x0, v24;
	v29 =	vld.idx.msk [tilespmem:v21+s14+$0x0], $0xffff  }
0x1c6: {  	v24 =	vor.u32 v2, v19;
	v17 =	vmul.f32 v15, v17;
	[tilespmem:v33+s12+$0x0] =	vst.idx.add.f32.msk $0xffff, v13  }
0x1c7: {  	v33 =	vor.u32 v2, v22;
	v13 =	vnsel vm0, $0x0, v27;
	v23 =	vld.idx.msk [tilespmem:v23+s18+$0x0], $0xffff  }
0x1c8: {  	v27 =	vor.u32 v3, v12;
	v30 =	vmul.f32 v13, v30;
	[tilespmem:v18+s12+$0x0] =	vst.idx.add.f32.msk $0xffff, v17  }
0x1c9: {  	v17 =	vld.idx.msk [tilespmem:v25+s18+$0x0], $0xffff  }
0x1ca: {  	v18 =	vmul.f32 v20, v16;
	v20 =	vor.u32 v2, v28;
	[tilespmem:v34+s12+$0x0] =	vst.idx.add.f32.msk $0xffff, v30  }
0x1cb: {  	v25 =	vor.u32 v3, v26;
	v24 =	vld.idx.msk [tilespmem:v24+s18+$0x0], $0xffff  }
0x1cc: {  	[tilespmem:v33+s12+$0x0] =	vst.idx.add.f32.msk $0xffff, v18;
	v18 =	vor.u32 v2, v31  }
0x1cd: {  	v30 =	vor.u32 v3, v32;
	v23 =	vmul.f32 v23, v10;
	v27 =	vld.idx.msk [tilespmem:v27+s18+$0x0], $0xffff  }
0x1ce: {  	v34 =	vor.u32 v2, v14;
	v33 =	vld.idx.msk [tilespmem:v21+s15+$0x0], $0xffff  }
0x1cf: {  	v35 =	vor.u32 v3, v19;
	v17 =	vmul.f32 v17, v15;
	[tilespmem:v20+s12+$0x0] =	vst.idx.add.f32.msk $0xffff, v23  }
0x1d0: {  	v20 =	vor.u32 v3, v22;
	v23 =	vld.idx.msk [tilespmem:v25+s18+$0x0], $0xffff  }
0x1d1: {  	v25 =	vor.u32 v4, v12;
	v12 =	vshll.u32 v21, $0x7;
	v21 =	vmul.f32 v24, v13;
	[tilespmem:v18+s12+$0x0] =	vst.idx.add.f32.msk $0xffff, v17  }
0x1d2: {  	v17 =	vor.u32 v0, v12;
	v18 =	vld.idx.msk [tilespmem:v30+s18+$0x0], $0xffff  }
0x1d3: {  	v24 =	vmul.f32 v27, v16;
	[tilespmem:v34+s12+$0x0] =	vst.idx.add.f32.msk $0xffff, v21;
	v21 =	vor.u32 v3, v28  }
0x1d4: {  	v26 =	vor.u32 v4, v26;
	v27 =	vld.idx.msk [tilespmem:v35+s18+$0x0], $0xffff  }
0x1d5: {  	[tilespmem:v20+s12+$0x0] =	vst.idx.add.f32.msk $0xffff, v24;
	v20 =	vor.u32 v3, v31  }
0x1d6: {  	v24 =	vor.u32 v4, v32;
	v23 =	vmul.f32 v23, v10;
	v30 =	vld.idx.msk [tilespmem:v25+s18+$0x0], $0xffff  }
0x1d7: {  	v32 =	vor.u32 v3, v14;
	v25 =	vld.idx.msk [tilespmem:v17+s18+$0x0], $0xffff  }
0x1d8: {  	v19 =	vor.u32 v4, v19;
	v18 =	vmul.f32 v18, v15;
	[tilespmem:v21+s12+$0x0] =	vst.idx.add.f32.msk $0xffff, v23  }
0x1d9: {  	s25 =	sadd.s32 $0x3, s22;
	v23 =	vor.u32 v4, v22;
	v17 =	vld.idx.msk [tilespmem:v26+s18+$0x0], $0xffff  }
.Ltmp10:
0x1da: {  	v21 =	vadd.s32 s22, v11;
	v26 =	vmov s25;
	v22 =	vmul.f32 v27, v13;
	[tilespmem:v20+s12+$0x0] =	vst.idx.add.f32.msk $0xffff, v18;
	(pc) =	sbr.rel @p0 .LBB2_14-.Ltmp10, $4  }
0x1db: {  	s23 =	sadd.s32 $0x2, s22;
	vm0 =	vge.s32 v21, v9;
	vm1 =	vlt.s32 v21, v7;
	v18 =	vld.idx.msk [tilespmem:v24+s18+$0x0], $0xffff  }
0x1dc: {  	v20 =	vor.u32 v2, v12;
	v24 =	vmov s23;
	v27 =	vmul.f32 v30, v16;
	[tilespmem:v32+s12+$0x0] =	vst.idx.add.f32.msk $0xffff, v22  }
0x1dd: {  	v21 =	vor.u32 v4, v28;
	vm0 =	vmand vm0, vm1;
	v22 =	vsub.s32 v33, v8;
	v19 =	vld.idx.msk [tilespmem:v19+s18+$0x0], $0xffff  }
0x1de: {  	s24 =	sadd.s32 $0x1, s22;
	s22 =	sadd.s32 $0x4, s22;
	v16 =	vnsel vm0, $0x0, v29;
	v22 =	vshll.u32 v22, $0x7;
	[tilespmem:v23+s12+$0x0] =	vst.idx.add.f32.msk $0xffff, v27;
	v23 =	vor.u32 v4, v31  }
0x1df: {  	_ =	sdelay $0x3  }
0x1e0: {  	v27 =	vmov s24;
	v22 =	vnsel vm0, $0x0, v22;
	v28 =	vld.idx.msk [tilespmem:v26+s15+$0x0], $0xffff;
	v29 =	vshll.u32 v26, $0x7  }
0x1e1: {  	v30 =	vadd.s32 s25, v11;
	v32 =	vshll.u32 v24, $0x7;
	v31 =	vor.u32 v0, v29  }
0x1e2: {  	v33 =	vld.idx.msk [tilespmem:v24+s15+$0x0], $0xffff;
	v54 =	vadd.s32 s23, v11;
	v56 =	vadd.s32 s24, v11;
	v25 =	vmul.f32 v16, v25  }
0x1e3: {  	v53 =	vld.idx.msk [tilespmem:v26+s14+$0x0], $0xffff;
	vm12 =	vge.s32 v30, v9;
	v34 =	vor.u32 v0, v32;
	vm1 =	vlt.s32 v30, v7  }
0x1e4: {  	v58 =	vld.idx.msk [tilespmem:v24+s14+$0x0], $0xffff;
	v35 =	vshll.u32 v27, $0x7;
	vm13 =	vge.s32 v54, v9;
	v57 =	vor.u32 v0, v22  }
0x1e5: {  	vm2 =	vlt.s32 v54, v7;
	vm14 =	vge.s32 v56, v9;
	v36 =	vld.idx.msk [tilespmem:v27+s15+$0x0], $0xffff;
	v28 =	vsub.s32 v28, v8  }
0x1e6: {  	vm0 =	vmand vm12, vm1;
	v55 =	vor.u32 v0, v35;
	v31 =	vld.idx.msk [tilespmem:v31+s18+$0x0], $0xffff;
	v28 =	vshll.u32 v28, $0x7  }
0x1e7: {  	vm15 =	vlt.s32 v56, v7;
	v33 =	vsub.s32 v33, v8;
	v27 =	vld.idx.msk [tilespmem:v27+s14+$0x0], $0xffff;
	v28 =	vnsel vm0, $0x0, v28  }
0x1e8: {  	vm1 =	vmand vm13, vm2;
	v34 =	vld.idx.msk [tilespmem:v34+s18+$0x0], $0xffff;
	v33 =	vshll.u32 v33, $0x7;
	v7 =	vor.u32 v0, v28  }
0x1e9: {  	v59 =	vor.u32 v2, v29;
	v61 =	vor.u32 v2, v32;
	[tilespmem:v57+s12+$0x0] =	vst.idx.add.f32.msk $0xffff, v25;
	v33 =	vnsel vm1, $0x0, v33  }
0x1ea: {  	v26 =	vnsel vm0, $0x0, v53;
	v20 =	vld.idx.msk [tilespmem:v20+s18+$0x0], $0xffff;
	v60 =	vor.u32 v0, v33;
	v8 =	vsub.s32 v36, v8  }
0x1eb: {  	v30 =	vld.idx.msk [tilespmem:v55+s18+$0x0], $0xffff;
	vm0 =	vmand vm14, vm15;
	v8 =	vshll.u32 v8, $0x7;
	v62 =	vmul.f32 v26, v31  }
0x1ec: {  	v41 =	vor.u32 v2, v22;
	v24 =	vnsel vm1, $0x0, v58;
	v8 =	vnsel vm0, $0x0, v8  }
0x1ed: {  	v40 =	vmul.f32 v24, v34;
	v63 =	vor.u32 v0, v8;
	[tilespmem:v7+s12+$0x0] =	vst.idx.add.f32.msk $0xffff, v62  }
0x1ee: {  	v7 =	vor.u32 v2, v35;
	v11 =	vld.idx.msk [tilespmem:v59+s18+$0x0], $0xffff  }
0x1ef: {  	v42 =	vor.u32 v3, v12;
	v27 =	vnsel vm0, $0x0, v27;
	v20 =	vmul.f32 v20, v16;
	[tilespmem:v60+s12+$0x0] =	vst.idx.add.f32.msk $0xffff, v40  }
0x1f0: {  	v43 =	vor.u32 v2, v28;
	v30 =	vmul.f32 v27, v30;
	v9 =	vld.idx.msk [tilespmem:v61+s18+$0x0], $0xffff  }
0x1f1: {  	v44 =	vor.u32 v3, v29;
	[tilespmem:v41+s12+$0x0] =	vst.idx.add.f32.msk $0xffff, v20  }
0x1f2: {  	v45 =	vor.u32 v2, v33;
	[tilespmem:v63+s12+$0x0] =	vst.idx.add.f32.msk $0xffff, v30  }
0x1f3: {  	v46 =	vor.u32 v3, v32;
	v7 =	vld.idx.msk [tilespmem:v7+s18+$0x0], $0xffff;
	v11 =	vmul.f32 v11, v26  }
0x1f4: {  	v25 =	vld.idx.msk [tilespmem:v42+s18+$0x0], $0xffff  }
0x1f5: {  	v47 =	vor.u32 v2, v8;
	v9 =	vmul.f32 v9, v24;
	[tilespmem:v43+s12+$0x0] =	vst.idx.add.f32.msk $0xffff, v11  }
0x1f6: {  	v48 =	vor.u32 v3, v35;
	v30 =	vld.idx.msk [tilespmem:v44+s18+$0x0], $0xffff  }
0x1f7: {  	v49 =	vor.u32 v3, v22;
	[tilespmem:v45+s12+$0x0] =	vst.idx.add.f32.msk $0xffff, v9  }
0x1f8: {  	v50 =	vor.u32 v3, v28;
	v20 =	vld.idx.msk [tilespmem:v46+s18+$0x0], $0xffff;
	v7 =	vmul.f32 v7, v27  }
0x1f9: {  	v51 =	vor.u32 v4, v12  }
0x1fa: {  	v53 =	vor.u32 v3, v33;
	[tilespmem:v47+s12+$0x0] =	vst.idx.add.f32.msk $0xffff, v7;
	v7 =	vmul.f32 v25, v16  }
0x1fb: {  	v52 =	vor.u32 v4, v29;
	v11 =	vld.idx.msk [tilespmem:v48+s18+$0x0], $0xffff;
	v30 =	vmul.f32 v30, v26  }
0x1fc: {  	[tilespmem:v49+s12+$0x0] =	vst.idx.add.f32.msk $0xffff, v7;
	v7 =	vor.u32 v4, v32  }
0x1fd: {  	v54 =	vor.u32 v3, v8;
	v20 =	vmul.f32 v20, v24;
	[tilespmem:v50+s12+$0x0] =	vst.idx.add.f32.msk $0xffff, v30  }
0x1fe: {  	v55 =	vor.u32 v4, v35;
	v12 =	vld.idx.msk [tilespmem:v51+s18+$0x0], $0xffff  }
0x1ff: {  	[tilespmem:v53+s12+$0x0] =	vst.idx.add.f32.msk $0xffff, v20  }
0x200: {  	v25 =	vld.idx.msk [tilespmem:v52+s18+$0x0], $0xffff;
	v11 =	vmul.f32 v11, v27  }
0x201: {  	v14 =	vor.u32 v4, v14;
	v7 =	vld.idx.msk [tilespmem:v7+s18+$0x0], $0xffff  }
0x202: {  	v10 =	vmul.f32 v17, v10;
	v56 =	vor.u32 v4, v22;
	[tilespmem:v54+s12+$0x0] =	vst.idx.add.f32.msk $0xffff, v11  }
0x203: {  	v57 =	vmul.f32 v18, v15;
	v58 =	vor.u32 v4, v28;
	v11 =	vld.idx.msk [tilespmem:v55+s18+$0x0], $0xffff  }
0x204: {  	[tilespmem:v21+s12+$0x0] =	vst.idx.add.f32.msk $0xffff, v10;
	v60 =	vor.u32 v4, v33;
	v59 =	vmul.f32 v19, v13  }
0x205: {  	[tilespmem:v23+s12+$0x0] =	vst.idx.add.f32.msk $0xffff, v57;
	v8 =	vor.u32 v4, v8;
	v61 =	vmul.f32 v12, v16  }
.Ltmp11:
0x206: {  	[tilespmem:v14+s12+$0x0] =	vst.idx.add.f32.msk $0xffff, v59;
	v62 =	vmul.f32 v25, v26;
	(pc) =	sbr.rel .LBB2_16-.Ltmp11, $4  }
0x207: {  	[tilespmem:v56+s12+$0x0] =	vst.idx.add.f32.msk $0xffff, v61;
	v7 =	vmul.f32 v7, v24  }
0x208: {  	[tilespmem:v58+s12+$0x0] =	vst.idx.add.f32.msk $0xffff, v62;
	v63 =	vmul.f32 v11, v27  }
0x209: {  	[tilespmem:v60+s12+$0x0] =	vst.idx.add.f32.msk $0xffff, v7  }
0x20a: {  	[tilespmem:v8+s12+$0x0] =	vst.idx.add.f32.msk $0xffff, v63  }
.LBB2_18:
0x20b: {  	_ =	sfence.sel $0x180000  }
0x20c: {  	[bflag:$0x0] =	sbarrier.arrive $0xFFFF  }
0x20d: {  	p0 =	sne.s32 s2, $0x0;
	_ =	strace $0x90000047  }
0x20e: {  	s0 =	sadd.s32 @!p0 $0x100000, s0;
	[bflag:$0x2] =	sbarrier.arrive $0xFFFF  }
0x20f: {  	[sflag:s0] =	ssyncadd.tile.s32 @!p0 $0x1;
	_ =	shalt  }
.Lfunc_end2:
_tile_overlayer_lowered:
.L_overlay_start_2:
0x210: {  	(tag) =	ssettag $0x2  }
0x211: {  	s0 =	rddreg [dreg:$0x0];
	s2 =	stileid.u32  }
0x212: {  	s1 =	rddreg [dreg:$0x1];
	p0 =	sne.s32 s2, $0x0  }
0x213: {  	s3 =	rddreg [dreg:$0x2];
	[bflag:$0x3] =	sbarrier.arrive $0xFFFF;
	s2 =	simm.s32 @!p0 $0x1C02  }
0x214: {  	[timem:s3], [sflag:s2] =	dma.local @!p0 [hbm:s0], s1  }
0x215: {  	s0 =	simm.s32 @!p0 $0x2  }
0x216: {  	_ =	swait.ge @!p0 [sflag:s0], s1  }
0x217: {  	s1 =	ssub.s32 @!p0 $0x0, s1;
	[sflag:s0] =	ssyncset.done @!p0 $0x0  }
0x218: {  	[sflag:s0] =	ssyncadd.s32 @!p0 s1  }
0x219: {  	[bflag:$0x3] =	sbarrier.arrive $0xFFFF  }
0x21a: {  	_ =	shalt  }

</sc_bundles>
